<compile_context>
chip_gen: v7x
topology: tpu7x:2x2x1
jax: 0.10.2.dev20260603
libtpu: 0.0.44.dev20260713+nightly
codegen_flags: <defaults>
</compile_context>

<pallas_src>
import functools

import jax
import jax.numpy as jnp
from jax import lax
from jax.experimental import pallas as pl
from jax.experimental.pallas import tpu as pltpu
from jax.experimental.pallas import tpu_sc as plsc


@functools.cache
def _build(H, NBATCH, D):
    info = plsc.get_sparse_core_info()
    NC, NS = info.num_cores, info.num_subcores
    NW = NC * NS
    BK = 128
    TB = NBATCH // BK
    NBLK = H * TB
    nb_w = NBLK // NW
    n_idx_w = nb_w * BK
    TD, DD = D // 8, 8
    assert nb_w * NW == NBLK and nb_w % 4 == 0

    mesh = plsc.VectorSubcoreMesh(core_axis_name="c", subcore_axis_name="s")

    @functools.partial(
        pl.kernel,
        mesh=mesh,
        out_type=jax.ShapeDtypeStruct((H, TD, TB, DD, BK), jnp.float32),
        scratch_types=[
            pltpu.VMEM((n_idx_w,), jnp.int32),
            pltpu.VMEM((BK, D), jnp.float32),
            pltpu.VMEM((BK, D), jnp.float32),
            pltpu.VMEM((BK, D), jnp.float32),
            pltpu.VMEM((BK, D), jnp.float32),
            pltpu.VMEM((TD, DD, BK + 1), jnp.float32),
            pltpu.VMEM((TD, DD, BK + 1), jnp.float32),
            pltpu.SemaphoreType.DMA,
            pltpu.SemaphoreType.DMA,
            pltpu.SemaphoreType.DMA,
            pltpu.SemaphoreType.DMA,
            pltpu.SemaphoreType.DMA,
            pltpu.SemaphoreType.DMA,
        ],
        compiler_params=pltpu.CompilerParams(
            use_tc_tiling_on_sc=False, needs_layout_passes=False),
    )
    def gather_kernel(idx_hbm, table_hbm, out_hbm, idx_v,
                      gb0, gb1, gb2, gb3, tb0, tb1,
                      g0, g1, g2, g3, s0, s1):
        gbufs = (gb0, gb1, gb2, gb3)
        gsems = (g0, g1, g2, g3)
        tbufs = (tb0, tb1)
        ssems = (s0, s1)

        wid = lax.axis_index("s") * NC + lax.axis_index("c")
        base = wid * n_idx_w
        pltpu.sync_copy(idx_hbm.at[pl.ds(base, n_idx_w)], idx_v)

        def gather(j, gb, gs):
            return pltpu.make_async_copy(
                table_hbm.at[idx_v.at[pl.ds(j * BK, BK)]], gb, gs)

        def dst(j):
            k = wid * nb_w + j
            return out_hbm.at[k // TB, pl.ds(0, TD), k % TB]

        iota = lax.iota(jnp.int32, 16)
        tdv = [(16 * q + iota) // DD for q in range(D // 16)]
        ddv = [lax.rem(16 * q + iota, DD) for q in range(D // 16)]

        def transpose(gb, tb):
            @pl.loop(0, BK, step=4)
            def _(b0):
                for bo in range(4):
                    b = b0 + bo
                    bs = jnp.zeros((16,), jnp.int32) + b
                    for q in range(D // 16):
                        v = gb[b, pl.ds(16 * q, 16)]
                        plsc.store_scatter(tb, [tdv[q], ddv[q], bs], v)

        for b in range(4):
            gather(b, gbufs[b], gsems[b]).start()

        @pl.loop(0, nb_w, step=4)
        def _(j0):
            for b in range(4):
                j = j0 + b
                gather(j, gbufs[b], gsems[b]).wait()

                @pl.when(j >= 2)
                def _():
                    pltpu.make_async_copy(
                        tbufs[b % 2].at[pl.ds(0, TD), pl.ds(0, DD),
                                        pl.ds(0, BK)],
                        dst(j - 2), ssems[b % 2]).wait()

                transpose(gbufs[b], tbufs[b % 2])

                @pl.when(j + 4 < nb_w)
                def _():
                    gather(j + 4, gbufs[b], gsems[b]).start()

                pltpu.make_async_copy(
                    tbufs[b % 2].at[pl.ds(0, TD), pl.ds(0, DD),
                                    pl.ds(0, BK)],
                    dst(j), ssems[b % 2]).start()

        pltpu.make_async_copy(
            tbufs[0].at[pl.ds(0, TD), pl.ds(0, DD), pl.ds(0, BK)],
            dst(nb_w - 2), ssems[0]).wait()
        pltpu.make_async_copy(
            tbufs[1].at[pl.ds(0, TD), pl.ds(0, DD), pl.ds(0, BK)],
            dst(nb_w - 1), ssems[1]).wait()

    return gather_kernel


def kernel(x, word_vectors):
    NBATCH, H = x.shape
    D = word_vectors.shape[1]
    idx = x.T.reshape(NBATCH * H)
    wv_wide = lax.optimization_barrier(
        word_vectors.reshape(word_vectors.shape[0] // 2, 2 * D))
    wv_lin = wv_wide.reshape(word_vectors.shape[0], D)
    out5 = _build(H, NBATCH, D)(idx, wv_lin)
    return out5.transpose(2, 4, 0, 1, 3).reshape(NBATCH, H, D)

# --- scband reference (transcript-rebuilt; emitter-appended) ---
"""Pipeline reference for scband-embedding-transformer-32014686224675 (READ-ONLY COPY).

The authoritative reference and input builder live on the scoring server;
editing this copy changes nothing except your own understanding.
"""

import jax, jax.numpy as jnp
import numpy as np

VOCAB = 1000000
EMBED_DIM = 64
BATCH = 4096
HIST = 200

def setup_inputs(seed: int = 0) -> dict:
    key = jax.random.key(seed)
    k_idx, k_tab = jax.random.split(key)
    x = jax.random.randint(k_idx, (BATCH, HIST), 0, VOCAB, dtype=jnp.int64 if jax.config.jax_enable_x64 else jnp.int32).astype(jnp.int32)
    word_vectors = jax.random.normal(k_tab, (VOCAB, EMBED_DIM), dtype=jnp.float32)
    return {"x": x, "word_vectors": word_vectors}

def reference(x, word_vectors):
    # EmbeddingTransformer.forward: emb = self.embed(x); return emb
    # (drop_prob is stored but dropout is not applied in forward)
    emb = jnp.take(word_vectors, x, axis=0)
    return emb

if __name__ == "__main__":
    import jax
    _d = setup_inputs()
    print(jax.jit(kernel)(*tuple(_d.values())))

</pallas_src>

<mosaic_0001>
#map = affine_map<(d0, d1) -> (0)>
#map1 = affine_map<(d0, d1) -> (0, 0)>
#map2 = affine_map<(d0, d1) -> (0, 0, 0, 0, 0)>
module attributes {stable_mosaic.version = 14 : i64} {
  func.func @gather_kernel(%arg0: i32, %arg1: i32, %arg2: memref<819200xi32, #tpu.memory_space<hbm>>, %arg3: memref<1000000x64xf32, #tpu.memory_space<hbm>>, %arg4: memref<200x8x32x8x128xf32, #tpu.memory_space<hbm>>, %arg5: memref<25600xi32, #tpu.memory_space<vmem>>, %arg6: memref<128x64xf32, #tpu.memory_space<vmem>>, %arg7: memref<128x64xf32, #tpu.memory_space<vmem>>, %arg8: memref<128x64xf32, #tpu.memory_space<vmem>>, %arg9: memref<128x64xf32, #tpu.memory_space<vmem>>, %arg10: memref<8x8x129xf32, #tpu.memory_space<vmem>>, %arg11: memref<8x8x129xf32, #tpu.memory_space<vmem>>, %arg12: memref<!tpu.dma_semaphore, #tpu.memory_space<semaphore_mem>>, %arg13: memref<!tpu.dma_semaphore, #tpu.memory_space<semaphore_mem>>, %arg14: memref<!tpu.dma_semaphore, #tpu.memory_space<semaphore_mem>>, %arg15: memref<!tpu.dma_semaphore, #tpu.memory_space<semaphore_mem>>, %arg16: memref<!tpu.dma_semaphore, #tpu.memory_space<semaphore_mem>>, %arg17: memref<!tpu.dma_semaphore, #tpu.memory_space<semaphore_mem>>) attributes {dimension_semantics = [#tpu.dimension_semantics<core_parallel>, #tpu.dimension_semantics<subcore_parallel>], iteration_bounds = array<i64: 2, 16>, scalar_prefetch = 0 : i64, scratch_operands = 13 : i64, tpu.core_type = #tpu.core_type<sc_vector_subcore>, window_params = [{transform_indices = #map}, {transform_indices = #map1}, {transform_indices = #map2}]} {
    %mul3A = arith.constant 2 : i32
    %mul3A_0 = arith.muli %arg1, %mul3A : i32
    %add3A = arith.addi %mul3A_0, %arg0 : i32
    %mul3A_1 = arith.constant 25600 : i32
    %mul3A_2 = arith.muli %add3A, %mul3A_1 : i32
    "tpu.region"() ({
      %run_scoped3A = tpu.sem_alloc : memref<!tpu.dma_semaphore, #tpu.memory_space<semaphore_mem>>
      %dma_start3A_299 = tpu.memref_slice %arg2[%mul3A_2] : memref<819200xi32, #tpu.memory_space<hbm>> -> memref<25600xi32, #tpu.memory_space<hbm>>
      %dma_start3A_300 = tpu.memref_slice %arg2[%mul3A_2] : memref<819200xi32, #tpu.memory_space<hbm>> -> memref<25600xi32, #tpu.memory_space<hbm>>
      tpu.enqueue_dma source(%dma_start3A_300 : memref<25600xi32, #tpu.memory_space<hbm>>) target(%arg5 : memref<25600xi32, #tpu.memory_space<vmem>>) target_semaphore(%run_scoped3A : memref<!tpu.dma_semaphore, #tpu.memory_space<semaphore_mem>>)
      %dma_wait3A_301 = tpu.memref_slice %arg2[%mul3A_2] : memref<819200xi32, #tpu.memory_space<hbm>> -> memref<25600xi32, #tpu.memory_space<hbm>>
      %dma_wait3A_302 = tpu.memref_slice %arg2[%mul3A_2] : memref<819200xi32, #tpu.memory_space<hbm>> -> memref<25600xi32, #tpu.memory_space<hbm>>
      tpu.wait_dma2 semaphore(%run_scoped3A : memref<!tpu.dma_semaphore, #tpu.memory_space<semaphore_mem>>) src(%dma_wait3A_302 : memref<25600xi32, #tpu.memory_space<hbm>>) dst(%arg5 : memref<25600xi32, #tpu.memory_space<vmem>>)
      tpu.yield
    }) : () -> ()
    %iota3A = tpu.iota {dimensions = array<i32: 0>} : vector<16xi32>
    %add3A_3 = arith.constant 0 : i32
    %add3A_4 = vector.broadcast %add3A_3 : i32 to vector<16xi32>
    %add3A_5 = arith.addi %add3A_4, %iota3A : vector<16xi32>
    %jit3A = arith.constant 8 : i32
    %div3A = vector.broadcast %jit3A : i32 to vector<16xi32>
    %div3A_6 = arith.divsi %add3A_5, %div3A : vector<16xi32>
    %sign3A = arith.constant 0 : i32
    %sign3A_7 = vector.broadcast %sign3A : i32 to vector<16xi32>
    %sign3A_8 = arith.cmpi sgt, %add3A_5, %sign3A_7 : vector<16xi32>
    %sign3A_9 = arith.extui %sign3A_8 : vector<16xi1> to vector<16xi32>
    %sign3A_10 = arith.constant 0 : i32
    %sign3A_11 = vector.broadcast %sign3A_10 : i32 to vector<16xi32>
    %sign3A_12 = arith.cmpi slt, %add3A_5, %sign3A_11 : vector<16xi32>
    %sign3A_13 = arith.extui %sign3A_12 : vector<16xi1> to vector<16xi32>
    %sign3A_14 = arith.subi %sign3A_9, %sign3A_13 : vector<16xi32>
    %sign3A_15 = arith.constant 0 : i32
    %sign3A_16 = arith.cmpi sgt, %jit3A, %sign3A_15 : i32
    %sign3A_17 = arith.extui %sign3A_16 : i1 to i32
    %sign3A_18 = arith.constant 0 : i32
    %sign3A_19 = arith.cmpi slt, %jit3A, %sign3A_18 : i32
    %sign3A_20 = arith.extui %sign3A_19 : i1 to i32
    %sign3A_21 = arith.subi %sign3A_17, %sign3A_20 : i32
    %ne3A = vector.broadcast %sign3A_21 : i32 to vector<16xi32>
    %ne3A_22 = arith.cmpi ne, %sign3A_14, %ne3A : vector<16xi32>
    %rem3A = vector.broadcast %jit3A : i32 to vector<16xi32>
    %rem3A_23 = arith.remsi %add3A_5, %rem3A : vector<16xi32>
    %ne3A_24 = arith.constant 0 : i32
    %ne3A_25 = vector.broadcast %ne3A_24 : i32 to vector<16xi32>
    %ne3A_26 = arith.cmpi ne, %rem3A_23, %ne3A_25 : vector<16xi32>
    %and3A = arith.andi %ne3A_22, %ne3A_26 : vector<16xi1>
    %sub3A = arith.constant 1 : i32
    %sub3A_27 = vector.broadcast %sub3A : i32 to vector<16xi32>
    %sub3A_28 = arith.subi %div3A_6, %sub3A_27 : vector<16xi32>
    %select_n3A = arith.select %and3A, %sub3A_28, %div3A_6 : vector<16xi1>, vector<16xi32>
    %add3A_29 = arith.constant 16 : i32
    %add3A_30 = vector.broadcast %add3A_29 : i32 to vector<16xi32>
    %add3A_31 = arith.addi %add3A_30, %iota3A : vector<16xi32>
    %jit3A_32 = arith.constant 8 : i32
    %div3A_33 = vector.broadcast %jit3A_32 : i32 to vector<16xi32>
    %div3A_34 = arith.divsi %add3A_31, %div3A_33 : vector<16xi32>
    %sign3A_35 = arith.constant 0 : i32
    %sign3A_36 = vector.broadcast %sign3A_35 : i32 to vector<16xi32>
    %sign3A_37 = arith.cmpi sgt, %add3A_31, %sign3A_36 : vector<16xi32>
    %sign3A_38 = arith.extui %sign3A_37 : vector<16xi1> to vector<16xi32>
    %sign3A_39 = arith.constant 0 : i32
    %sign3A_40 = vector.broadcast %sign3A_39 : i32 to vector<16xi32>
    %sign3A_41 = arith.cmpi slt, %add3A_31, %sign3A_40 : vector<16xi32>
    %sign3A_42 = arith.extui %sign3A_41 : vector<16xi1> to vector<16xi32>
    %sign3A_43 = arith.subi %sign3A_38, %sign3A_42 : vector<16xi32>
    %sign3A_44 = arith.constant 0 : i32
    %sign3A_45 = arith.cmpi sgt, %jit3A_32, %sign3A_44 : i32
    %sign3A_46 = arith.extui %sign3A_45 : i1 to i32
    %sign3A_47 = arith.constant 0 : i32
    %sign3A_48 = arith.cmpi slt, %jit3A_32, %sign3A_47 : i32
    %sign3A_49 = arith.extui %sign3A_48 : i1 to i32
    %sign3A_50 = arith.subi %sign3A_46, %sign3A_49 : i32
    %ne3A_51 = vector.broadcast %sign3A_50 : i32 to vector<16xi32>
    %ne3A_52 = arith.cmpi ne, %sign3A_43, %ne3A_51 : vector<16xi32>
    %rem3A_53 = vector.broadcast %jit3A_32 : i32 to vector<16xi32>
    %rem3A_54 = arith.remsi %add3A_31, %rem3A_53 : vector<16xi32>
    %ne3A_55 = arith.constant 0 : i32
    %ne3A_56 = vector.broadcast %ne3A_55 : i32 to vector<16xi32>
    %ne3A_57 = arith.cmpi ne, %rem3A_54, %ne3A_56 : vector<16xi32>
    %and3A_58 = arith.andi %ne3A_52, %ne3A_57 : vector<16xi1>
    %sub3A_59 = arith.constant 1 : i32
    %sub3A_60 = vector.broadcast %sub3A_59 : i32 to vector<16xi32>
    %sub3A_61 = arith.subi %div3A_34, %sub3A_60 : vector<16xi32>
    %select_n3A_62 = arith.select %and3A_58, %sub3A_61, %div3A_34 : vector<16xi1>, vector<16xi32>
    %add3A_63 = arith.constant 32 : i32
    %add3A_64 = vector.broadcast %add3A_63 : i32 to vector<16xi32>
    %add3A_65 = arith.addi %add3A_64, %iota3A : vector<16xi32>
    %jit3A_66 = arith.constant 8 : i32
    %div3A_67 = vector.broadcast %jit3A_66 : i32 to vector<16xi32>
    %div3A_68 = arith.divsi %add3A_65, %div3A_67 : vector<16xi32>
    %sign3A_69 = arith.constant 0 : i32
    %sign3A_70 = vector.broadcast %sign3A_69 : i32 to vector<16xi32>
    %sign3A_71 = arith.cmpi sgt, %add3A_65, %sign3A_70 : vector<16xi32>
    %sign3A_72 = arith.extui %sign3A_71 : vector<16xi1> to vector<16xi32>
    %sign3A_73 = arith.constant 0 : i32
    %sign3A_74 = vector.broadcast %sign3A_73 : i32 to vector<16xi32>
    %sign3A_75 = arith.cmpi slt, %add3A_65, %sign3A_74 : vector<16xi32>
    %sign3A_76 = arith.extui %sign3A_75 : vector<16xi1> to vector<16xi32>
    %sign3A_77 = arith.subi %sign3A_72, %sign3A_76 : vector<16xi32>
    %sign3A_78 = arith.constant 0 : i32
    %sign3A_79 = arith.cmpi sgt, %jit3A_66, %sign3A_78 : i32
    %sign3A_80 = arith.extui %sign3A_79 : i1 to i32
    %sign3A_81 = arith.constant 0 : i32
    %sign3A_82 = arith.cmpi slt, %jit3A_66, %sign3A_81 : i32
    %sign3A_83 = arith.extui %sign3A_82 : i1 to i32
    %sign3A_84 = arith.subi %sign3A_80, %sign3A_83 : i32
    %ne3A_85 = vector.broadcast %sign3A_84 : i32 to vector<16xi32>
    %ne3A_86 = arith.cmpi ne, %sign3A_77, %ne3A_85 : vector<16xi32>
    %rem3A_87 = vector.broadcast %jit3A_66 : i32 to vector<16xi32>
    %rem3A_88 = arith.remsi %add3A_65, %rem3A_87 : vector<16xi32>
    %ne3A_89 = arith.constant 0 : i32
    %ne3A_90 = vector.broadcast %ne3A_89 : i32 to vector<16xi32>
    %ne3A_91 = arith.cmpi ne, %rem3A_88, %ne3A_90 : vector<16xi32>
    %and3A_92 = arith.andi %ne3A_86, %ne3A_91 : vector<16xi1>
    %sub3A_93 = arith.constant 1 : i32
    %sub3A_94 = vector.broadcast %sub3A_93 : i32 to vector<16xi32>
    %sub3A_95 = arith.subi %div3A_68, %sub3A_94 : vector<16xi32>
    %select_n3A_96 = arith.select %and3A_92, %sub3A_95, %div3A_68 : vector<16xi1>, vector<16xi32>
    %add3A_97 = arith.constant 48 : i32
    %add3A_98 = vector.broadcast %add3A_97 : i32 to vector<16xi32>
    %add3A_99 = arith.addi %add3A_98, %iota3A : vector<16xi32>
    %jit3A_100 = arith.constant 8 : i32
    %div3A_101 = vector.broadcast %jit3A_100 : i32 to vector<16xi32>
    %div3A_102 = arith.divsi %add3A_99, %div3A_101 : vector<16xi32>
    %sign3A_103 = arith.constant 0 : i32
    %sign3A_104 = vector.broadcast %sign3A_103 : i32 to vector<16xi32>
    %sign3A_105 = arith.cmpi sgt, %add3A_99, %sign3A_104 : vector<16xi32>
    %sign3A_106 = arith.extui %sign3A_105 : vector<16xi1> to vector<16xi32>
    %sign3A_107 = arith.constant 0 : i32
    %sign3A_108 = vector.broadcast %sign3A_107 : i32 to vector<16xi32>
    %sign3A_109 = arith.cmpi slt, %add3A_99, %sign3A_108 : vector<16xi32>
    %sign3A_110 = arith.extui %sign3A_109 : vector<16xi1> to vector<16xi32>
    %sign3A_111 = arith.subi %sign3A_106, %sign3A_110 : vector<16xi32>
    %sign3A_112 = arith.constant 0 : i32
    %sign3A_113 = arith.cmpi sgt, %jit3A_100, %sign3A_112 : i32
    %sign3A_114 = arith.extui %sign3A_113 : i1 to i32
    %sign3A_115 = arith.constant 0 : i32
    %sign3A_116 = arith.cmpi slt, %jit3A_100, %sign3A_115 : i32
    %sign3A_117 = arith.extui %sign3A_116 : i1 to i32
    %sign3A_118 = arith.subi %sign3A_114, %sign3A_117 : i32
    %ne3A_119 = vector.broadcast %sign3A_118 : i32 to vector<16xi32>
    %ne3A_120 = arith.cmpi ne, %sign3A_111, %ne3A_119 : vector<16xi32>
    %rem3A_121 = vector.broadcast %jit3A_100 : i32 to vector<16xi32>
    %rem3A_122 = arith.remsi %add3A_99, %rem3A_121 : vector<16xi32>
    %ne3A_123 = arith.constant 0 : i32
    %ne3A_124 = vector.broadcast %ne3A_123 : i32 to vector<16xi32>
    %ne3A_125 = arith.cmpi ne, %rem3A_122, %ne3A_124 : vector<16xi32>
    %and3A_126 = arith.andi %ne3A_120, %ne3A_125 : vector<16xi1>
    %sub3A_127 = arith.constant 1 : i32
    %sub3A_128 = vector.broadcast %sub3A_127 : i32 to vector<16xi32>
    %sub3A_129 = arith.subi %div3A_102, %sub3A_128 : vector<16xi32>
    %select_n3A_130 = arith.select %and3A_126, %sub3A_129, %div3A_102 : vector<16xi1>, vector<16xi32>
    %add3A_131 = arith.constant 0 : i32
    %add3A_132 = vector.broadcast %add3A_131 : i32 to vector<16xi32>
    %add3A_133 = arith.addi %add3A_132, %iota3A : vector<16xi32>
    %rem3A_134 = arith.constant 8 : i32
    %rem3A_135 = vector.broadcast %rem3A_134 : i32 to vector<16xi32>
    %rem3A_136 = arith.remsi %add3A_133, %rem3A_135 : vector<16xi32>
    %add3A_137 = arith.constant 16 : i32
    %add3A_138 = vector.broadcast %add3A_137 : i32 to vector<16xi32>
    %add3A_139 = arith.addi %add3A_138, %iota3A : vector<16xi32>
    %rem3A_140 = arith.constant 8 : i32
    %rem3A_141 = vector.broadcast %rem3A_140 : i32 to vector<16xi32>
    %rem3A_142 = arith.remsi %add3A_139, %rem3A_141 : vector<16xi32>
    %add3A_143 = arith.constant 32 : i32
    %add3A_144 = vector.broadcast %add3A_143 : i32 to vector<16xi32>
    %add3A_145 = arith.addi %add3A_144, %iota3A : vector<16xi32>
    %rem3A_146 = arith.constant 8 : i32
    %rem3A_147 = vector.broadcast %rem3A_146 : i32 to vector<16xi32>
    %rem3A_148 = arith.remsi %add3A_145, %rem3A_147 : vector<16xi32>
    %add3A_149 = arith.constant 48 : i32
    %add3A_150 = vector.broadcast %add3A_149 : i32 to vector<16xi32>
    %add3A_151 = arith.addi %add3A_150, %iota3A : vector<16xi32>
    %rem3A_152 = arith.constant 8 : i32
    %rem3A_153 = vector.broadcast %rem3A_152 : i32 to vector<16xi32>
    %rem3A_154 = arith.remsi %add3A_151, %rem3A_153 : vector<16xi32>
    %dma_start3A = arith.constant 0 : i32
    %dma_start3A_155 = tpu.memref_slice %arg5[%dma_start3A] : memref<25600xi32, #tpu.memory_space<vmem>> -> memref<128xi32, #tpu.memory_space<vmem>>
    %dma_start3A_156 = arith.constant 0 : i32
    %dma_start3A_157 = arith.constant 0 : i32
    %dma_start3A_158 = tpu.memref_slice %arg3[%dma_start3A_156, %dma_start3A_157] : memref<1000000x64xf32, #tpu.memory_space<hbm>> -> memref<1000000x64xf32, #tpu.memory_space<hbm>>
    tpu.enqueue_indirect_dma source(%dma_start3A_158 : memref<1000000x64xf32, #tpu.memory_space<hbm>>) target(%arg6 : memref<128x64xf32, #tpu.memory_space<vmem>>) offsets(%dma_start3A_155 : memref<128xi32, #tpu.memory_space<vmem>>) semaphore(%arg12 : memref<!tpu.dma_semaphore, #tpu.memory_space<semaphore_mem>>)
    %dma_start3A_159 = arith.constant 128 : i32
    %dma_start3A_160 = tpu.memref_slice %arg5[%dma_start3A_159] : memref<25600xi32, #tpu.memory_space<vmem>> -> memref<128xi32, #tpu.memory_space<vmem>>
    %dma_start3A_161 = arith.constant 0 : i32
    %dma_start3A_162 = arith.constant 0 : i32
    %dma_start3A_163 = tpu.memref_slice %arg3[%dma_start3A_161, %dma_start3A_162] : memref<1000000x64xf32, #tpu.memory_space<hbm>> -> memref<1000000x64xf32, #tpu.memory_space<hbm>>
    tpu.enqueue_indirect_dma source(%dma_start3A_163 : memref<1000000x64xf32, #tpu.memory_space<hbm>>) target(%arg7 : memref<128x64xf32, #tpu.memory_space<vmem>>) offsets(%dma_start3A_160 : memref<128xi32, #tpu.memory_space<vmem>>) semaphore(%arg13 : memref<!tpu.dma_semaphore, #tpu.memory_space<semaphore_mem>>)
    %dma_start3A_164 = arith.constant 256 : i32
    %dma_start3A_165 = tpu.memref_slice %arg5[%dma_start3A_164] : memref<25600xi32, #tpu.memory_space<vmem>> -> memref<128xi32, #tpu.memory_space<vmem>>
    %dma_start3A_166 = arith.constant 0 : i32
    %dma_start3A_167 = arith.constant 0 : i32
    %dma_start3A_168 = tpu.memref_slice %arg3[%dma_start3A_166, %dma_start3A_167] : memref<1000000x64xf32, #tpu.memory_space<hbm>> -> memref<1000000x64xf32, #tpu.memory_space<hbm>>
    tpu.enqueue_indirect_dma source(%dma_start3A_168 : memref<1000000x64xf32, #tpu.memory_space<hbm>>) target(%arg8 : memref<128x64xf32, #tpu.memory_space<vmem>>) offsets(%dma_start3A_165 : memref<128xi32, #tpu.memory_space<vmem>>) semaphore(%arg14 : memref<!tpu.dma_semaphore, #tpu.memory_space<semaphore_mem>>)
    %dma_start3A_169 = arith.constant 384 : i32
    %dma_start3A_170 = tpu.memref_slice %arg5[%dma_start3A_169] : memref<25600xi32, #tpu.memory_space<vmem>> -> memref<128xi32, #tpu.memory_space<vmem>>
    %dma_start3A_171 = arith.constant 0 : i32
    %dma_start3A_172 = arith.constant 0 : i32
    %dma_start3A_173 = tpu.memref_slice %arg3[%dma_start3A_171, %dma_start3A_172] : memref<1000000x64xf32, #tpu.memory_space<hbm>> -> memref<1000000x64xf32, #tpu.memory_space<hbm>>
    tpu.enqueue_indirect_dma source(%dma_start3A_173 : memref<1000000x64xf32, #tpu.memory_space<hbm>>) target(%arg9 : memref<128x64xf32, #tpu.memory_space<vmem>>) offsets(%dma_start3A_170 : memref<128xi32, #tpu.memory_space<vmem>>) semaphore(%arg15 : memref<!tpu.dma_semaphore, #tpu.memory_space<semaphore_mem>>)
    %scan3A = arith.constant 0 : i32
    %scan3A_174 = arith.constant 50 : i32
    %scan3A_175 = arith.addi %scan3A, %scan3A_174 : i32
    %scan3A_176 = arith.constant 1 : i32
    scf.for %scan3A_299 = %scan3A to %scan3A_175 step %scan3A_176  : i32 {
      %mul3A_300 = arith.constant 4 : i32
      %mul3A_301 = arith.muli %scan3A_299, %mul3A_300 : i32
      %add3A_302 = arith.constant 0 : i32
      %add3A_303 = arith.addi %add3A_302, %mul3A_301 : i32
      %add3A_304 = arith.constant 0 : i32
      %add3A_305 = arith.addi %add3A_303, %add3A_304 : i32
      %mul3A_306 = arith.constant 128 : i32
      %mul3A_307 = arith.muli %add3A_305, %mul3A_306 : i32
      %dma_wait3A_308 = tpu.memref_slice %arg5[%mul3A_307] : memref<25600xi32, #tpu.memory_space<vmem>> -> memref<128xi32, #tpu.memory_space<vmem>>
      %dma_wait3A_309 = arith.constant 0 : i32
      %dma_wait3A_310 = arith.constant 0 : i32
      %dma_wait3A_311 = tpu.memref_slice %arg3[%dma_wait3A_309, %dma_wait3A_310] : memref<1000000x64xf32, #tpu.memory_space<hbm>> -> memref<1000000x64xf32, #tpu.memory_space<hbm>>
      tpu.wait_indirect_dma semaphore(%arg12 : memref<!tpu.dma_semaphore, #tpu.memory_space<semaphore_mem>>) src(%dma_wait3A_311 : memref<1000000x64xf32, #tpu.memory_space<hbm>>) dst(%arg6 : memref<128x64xf32, #tpu.memory_space<vmem>>)
      %ge3A = arith.constant 2 : i32
      %ge3A_312 = arith.cmpi sge, %add3A_305, %ge3A : i32
      %convert_element_type3A = arith.extui %ge3A_312 : i1 to i32
      %cond3A = arith.constant 0 : i32
      %cond3A_313 = arith.cmpi ne, %convert_element_type3A, %cond3A : i32
      scf.if %cond3A_313 {
        %sub3A_645 = arith.constant 2 : i32
        %sub3A_646 = arith.subi %add3A_305, %sub3A_645 : i32
        %mul3A_647 = arith.constant 200 : i32
        %mul3A_648 = arith.muli %add3A, %mul3A_647 : i32
        %add3A_649 = arith.addi %mul3A_648, %sub3A_646 : i32
        %jit3A_650 = arith.constant 32 : i32
        %div3A_651 = arith.divsi %add3A_649, %jit3A_650 : i32
        %sign3A_652 = arith.constant 0 : i32
        %sign3A_653 = arith.cmpi sgt, %add3A_649, %sign3A_652 : i32
        %sign3A_654 = arith.extui %sign3A_653 : i1 to i32
        %sign3A_655 = arith.constant 0 : i32
        %sign3A_656 = arith.cmpi slt, %add3A_649, %sign3A_655 : i32
        %sign3A_657 = arith.extui %sign3A_656 : i1 to i32
        %sign3A_658 = arith.subi %sign3A_654, %sign3A_657 : i32
        %sign3A_659 = arith.constant 0 : i32
        %sign3A_660 = arith.cmpi sgt, %jit3A_650, %sign3A_659 : i32
        %sign3A_661 = arith.extui %sign3A_660 : i1 to i32
        %sign3A_662 = arith.constant 0 : i32
        %sign3A_663 = arith.cmpi slt, %jit3A_650, %sign3A_662 : i32
        %sign3A_664 = arith.extui %sign3A_663 : i1 to i32
        %sign3A_665 = arith.subi %sign3A_661, %sign3A_664 : i32
        %ne3A_666 = arith.cmpi ne, %sign3A_658, %sign3A_665 : i32
        %rem3A_667 = arith.remsi %add3A_649, %jit3A_650 : i32
        %ne3A_668 = arith.constant 0 : i32
        %ne3A_669 = arith.cmpi ne, %rem3A_667, %ne3A_668 : i32
        %and3A_670 = arith.andi %ne3A_666, %ne3A_669 : i1
        %sub3A_671 = arith.constant 1 : i32
        %sub3A_672 = arith.subi %div3A_651, %sub3A_671 : i32
        %select_n3A_673 = arith.select %and3A_670, %sub3A_672, %div3A_651 : i32
        %jit3A_674 = arith.constant 32 : i32
        %eq3A_675 = arith.constant 0 : i32
        %eq3A_676 = arith.cmpi eq, %jit3A_674, %eq3A_675 : i32
        %jit3A_677 = arith.constant 1 : i32
        %select_n3A_678 = arith.select %eq3A_676, %jit3A_677, %jit3A_674 : i32
        %rem3A_679 = arith.remsi %add3A_649, %select_n3A_678 : i32
        %ne3A_680 = arith.constant 0 : i32
        %ne3A_681 = arith.cmpi ne, %rem3A_679, %ne3A_680 : i32
        %lt3A_682 = arith.constant 0 : i32
        %lt3A_683 = arith.cmpi slt, %rem3A_679, %lt3A_682 : i32
        %lt3A_684 = arith.constant 0 : i32
        %lt3A_685 = arith.cmpi slt, %select_n3A_678, %lt3A_684 : i32
        %ne3A_686 = arith.xori %lt3A_683, %lt3A_685 : i1
        %and3A_687 = arith.andi %ne3A_686, %ne3A_681 : i1
        %add3A_688 = arith.addi %rem3A_679, %select_n3A_678 : i32
        %select_n3A_689 = arith.select %and3A_687, %add3A_688, %rem3A_679 : i32
        %dma_wait3A_690 = arith.constant 0 : i32
        %dma_wait3A_691 = arith.constant 0 : i32
        %dma_wait3A_692 = arith.constant 0 : i32
        %dma_wait3A_693 = tpu.memref_slice %arg10[%dma_wait3A_690, %dma_wait3A_691, %dma_wait3A_692] : memref<8x8x129xf32, #tpu.memory_space<vmem>> -> memref<8x8x128xf32, #tpu.memory_space<vmem>>
        %dma_wait3A_694 = arith.constant 0 : i32
        %dma_wait3A_695 = arith.constant 0 : i32
        %dma_wait3A_696 = arith.constant 0 : i32
        %dma_wait3A_697 = tpu.memref_slice %arg4[%select_n3A_673, %dma_wait3A_694, %select_n3A_689, %dma_wait3A_695, %dma_wait3A_696] : memref<200x8x32x8x128xf32, #tpu.memory_space<hbm>> -> memref<1x8x1x8x128xf32, #tpu.memory_space<hbm>>
        %dma_wait3A_698 = tpu.memref_squeeze %dma_wait3A_697 : memref<1x8x1x8x128xf32, #tpu.memory_space<hbm>> -> memref<8x8x128xf32, #tpu.memory_space<hbm>>
        %dma_wait3A_699 = arith.constant 0 : i32
        %dma_wait3A_700 = arith.constant 0 : i32
        %dma_wait3A_701 = arith.constant 0 : i32
        %dma_wait3A_702 = tpu.memref_slice %arg4[%select_n3A_673, %dma_wait3A_699, %select_n3A_689, %dma_wait3A_700, %dma_wait3A_701] : memref<200x8x32x8x128xf32, #tpu.memory_space<hbm>> -> memref<1x8x1x8x128xf32, #tpu.memory_space<hbm>>
        %dma_wait3A_703 = tpu.memref_squeeze %dma_wait3A_702 : memref<1x8x1x8x128xf32, #tpu.memory_space<hbm>> -> memref<8x8x128xf32, #tpu.memory_space<hbm>>
        %dma_wait3A_704 = arith.constant 0 : i32
        %dma_wait3A_705 = arith.constant 0 : i32
        %dma_wait3A_706 = arith.constant 0 : i32
        %dma_wait3A_707 = tpu.memref_slice %arg10[%dma_wait3A_704, %dma_wait3A_705, %dma_wait3A_706] : memref<8x8x129xf32, #tpu.memory_space<vmem>> -> memref<8x8x128xf32, #tpu.memory_space<vmem>>
        tpu.wait_dma2 semaphore(%arg16 : memref<!tpu.dma_semaphore, #tpu.memory_space<semaphore_mem>>) src(%dma_wait3A_707 : memref<8x8x128xf32, #tpu.memory_space<vmem>>) dst(%dma_wait3A_703 : memref<8x8x128xf32, #tpu.memory_space<hbm>>)
      } else {
      }
      %scan3A_314 = arith.constant 0 : i32
      %scan3A_315 = arith.constant 32 : i32
      %scan3A_316 = arith.addi %scan3A_314, %scan3A_315 : i32
      %scan3A_317 = arith.constant 1 : i32
      scf.for %scan3A_645 = %scan3A_314 to %scan3A_316 step %scan3A_317  : i32 {
        %mul3A_646 = arith.constant 4 : i32
        %mul3A_647 = arith.muli %scan3A_645, %mul3A_646 : i32
        %add3A_648 = arith.constant 0 : i32
        %add3A_649 = arith.addi %add3A_648, %mul3A_647 : i32
        %add3A_650 = arith.constant 0 : i32
        %add3A_651 = arith.addi %add3A_649, %add3A_650 : i32
        %broadcast_in_dim3A = arith.constant 0 : i32
        %broadcast_in_dim3A_652 = vector.broadcast %broadcast_in_dim3A : i32 to vector<16xi32>
        %add3A_653 = vector.broadcast %add3A_651 : i32 to vector<16xi32>
        %add3A_654 = arith.addi %broadcast_in_dim3A_652, %add3A_653 : vector<16xi32>
        %get3A = arith.index_cast %add3A_651 : i32 to index
        %get3A_655 = arith.constant 0 : index
        %get3A_656 = tpu.vector_load %arg6[%get3A, %get3A_655] {strides = array<i32>} : memref<128x64xf32, #tpu.memory_space<vmem>>, vector<16xf32>,
        tpu.vector_store_idx %arg10[%select_n3A, %rem3A_136, %add3A_654], %get3A_656 : memref<8x8x129xf32, #tpu.memory_space<vmem>>[vector<16xi32>, vector<16xi32>, vector<16xi32>], vector<16xf32>,
        %get3A_657 = arith.index_cast %add3A_651 : i32 to index
        %get3A_658 = arith.constant 16 : index
        %get3A_659 = tpu.vector_load %arg6[%get3A_657, %get3A_658] {strides = array<i32>} : memref<128x64xf32, #tpu.memory_space<vmem>>, vector<16xf32>,
        tpu.vector_store_idx %arg10[%select_n3A_62, %rem3A_142, %add3A_654], %get3A_659 : memref<8x8x129xf32, #tpu.memory_space<vmem>>[vector<16xi32>, vector<16xi32>, vector<16xi32>], vector<16xf32>,
        %get3A_660 = arith.index_cast %add3A_651 : i32 to index
        %get3A_661 = arith.constant 32 : index
        %get3A_662 = tpu.vector_load %arg6[%get3A_660, %get3A_661] {strides = array<i32>} : memref<128x64xf32, #tpu.memory_space<vmem>>, vector<16xf32>,
        tpu.vector_store_idx %arg10[%select_n3A_96, %rem3A_148, %add3A_654], %get3A_662 : memref<8x8x129xf32, #tpu.memory_space<vmem>>[vector<16xi32>, vector<16xi32>, vector<16xi32>], vector<16xf32>,
        %get3A_663 = arith.index_cast %add3A_651 : i32 to index
        %get3A_664 = arith.constant 48 : index
        %get3A_665 = tpu.vector_load %arg6[%get3A_663, %get3A_664] {strides = array<i32>} : memref<128x64xf32, #tpu.memory_space<vmem>>, vector<16xf32>,
        tpu.vector_store_idx %arg10[%select_n3A_130, %rem3A_154, %add3A_654], %get3A_665 : memref<8x8x129xf32, #tpu.memory_space<vmem>>[vector<16xi32>, vector<16xi32>, vector<16xi32>], vector<16xf32>,
        %add3A_666 = arith.constant 1 : i32
        %add3A_667 = arith.addi %add3A_649, %add3A_666 : i32
        %broadcast_in_dim3A_668 = arith.constant 0 : i32
        %broadcast_in_dim3A_669 = vector.broadcast %broadcast_in_dim3A_668 : i32 to vector<16xi32>
        %add3A_670 = vector.broadcast %add3A_667 : i32 to vector<16xi32>
        %add3A_671 = arith.addi %broadcast_in_dim3A_669, %add3A_670 : vector<16xi32>
        %get3A_672 = arith.index_cast %add3A_667 : i32 to index
        %get3A_673 = arith.constant 0 : index
        %get3A_674 = tpu.vector_load %arg6[%get3A_672, %get3A_673] {strides = array<i32>} : memref<128x64xf32, #tpu.memory_space<vmem>>, vector<16xf32>,
        tpu.vector_store_idx %arg10[%select_n3A, %rem3A_136, %add3A_671], %get3A_674 : memref<8x8x129xf32, #tpu.memory_space<vmem>>[vector<16xi32>, vector<16xi32>, vector<16xi32>], vector<16xf32>,
        %get3A_675 = arith.index_cast %add3A_667 : i32 to index
        %get3A_676 = arith.constant 16 : index
        %get3A_677 = tpu.vector_load %arg6[%get3A_675, %get3A_676] {strides = array<i32>} : memref<128x64xf32, #tpu.memory_space<vmem>>, vector<16xf32>,
        tpu.vector_store_idx %arg10[%select_n3A_62, %rem3A_142, %add3A_671], %get3A_677 : memref<8x8x129xf32, #tpu.memory_space<vmem>>[vector<16xi32>, vector<16xi32>, vector<16xi32>], vector<16xf32>,
        %get3A_678 = arith.index_cast %add3A_667 : i32 to index
        %get3A_679 = arith.constant 32 : index
        %get3A_680 = tpu.vector_load %arg6[%get3A_678, %get3A_679] {strides = array<i32>} : memref<128x64xf32, #tpu.memory_space<vmem>>, vector<16xf32>,
        tpu.vector_store_idx %arg10[%select_n3A_96, %rem3A_148, %add3A_671], %get3A_680 : memref<8x8x129xf32, #tpu.memory_space<vmem>>[vector<16xi32>, vector<16xi32>, vector<16xi32>], vector<16xf32>,
        %get3A_681 = arith.index_cast %add3A_667 : i32 to index
        %get3A_682 = arith.constant 48 : index
        %get3A_683 = tpu.vector_load %arg6[%get3A_681, %get3A_682] {strides = array<i32>} : memref<128x64xf32, #tpu.memory_space<vmem>>, vector<16xf32>,
        tpu.vector_store_idx %arg10[%select_n3A_130, %rem3A_154, %add3A_671], %get3A_683 : memref<8x8x129xf32, #tpu.memory_space<vmem>>[vector<16xi32>, vector<16xi32>, vector<16xi32>], vector<16xf32>,
        %add3A_684 = arith.constant 2 : i32
        %add3A_685 = arith.addi %add3A_649, %add3A_684 : i32
        %broadcast_in_dim3A_686 = arith.constant 0 : i32
        %broadcast_in_dim3A_687 = vector.broadcast %broadcast_in_dim3A_686 : i32 to vector<16xi32>
        %add3A_688 = vector.broadcast %add3A_685 : i32 to vector<16xi32>
        %add3A_689 = arith.addi %broadcast_in_dim3A_687, %add3A_688 : vector<16xi32>
        %get3A_690 = arith.index_cast %add3A_685 : i32 to index
        %get3A_691 = arith.constant 0 : index
        %get3A_692 = tpu.vector_load %arg6[%get3A_690, %get3A_691] {strides = array<i32>} : memref<128x64xf32, #tpu.memory_space<vmem>>, vector<16xf32>,
        tpu.vector_store_idx %arg10[%select_n3A, %rem3A_136, %add3A_689], %get3A_692 : memref<8x8x129xf32, #tpu.memory_space<vmem>>[vector<16xi32>, vector<16xi32>, vector<16xi32>], vector<16xf32>,
        %get3A_693 = arith.index_cast %add3A_685 : i32 to index
        %get3A_694 = arith.constant 16 : index
        %get3A_695 = tpu.vector_load %arg6[%get3A_693, %get3A_694] {strides = array<i32>} : memref<128x64xf32, #tpu.memory_space<vmem>>, vector<16xf32>,
        tpu.vector_store_idx %arg10[%select_n3A_62, %rem3A_142, %add3A_689], %get3A_695 : memref<8x8x129xf32, #tpu.memory_space<vmem>>[vector<16xi32>, vector<16xi32>, vector<16xi32>], vector<16xf32>,
        %get3A_696 = arith.index_cast %add3A_685 : i32 to index
        %get3A_697 = arith.constant 32 : index
        %get3A_698 = tpu.vector_load %arg6[%get3A_696, %get3A_697] {strides = array<i32>} : memref<128x64xf32, #tpu.memory_space<vmem>>, vector<16xf32>,
        tpu.vector_store_idx %arg10[%select_n3A_96, %rem3A_148, %add3A_689], %get3A_698 : memref<8x8x129xf32, #tpu.memory_space<vmem>>[vector<16xi32>, vector<16xi32>, vector<16xi32>], vector<16xf32>,
        %get3A_699 = arith.index_cast %add3A_685 : i32 to index
        %get3A_700 = arith.constant 48 : index
        %get3A_701 = tpu.vector_load %arg6[%get3A_699, %get3A_700] {strides = array<i32>} : memref<128x64xf32, #tpu.memory_space<vmem>>, vector<16xf32>,
        tpu.vector_store_idx %arg10[%select_n3A_130, %rem3A_154, %add3A_689], %get3A_701 : memref<8x8x129xf32, #tpu.memory_space<vmem>>[vector<16xi32>, vector<16xi32>, vector<16xi32>], vector<16xf32>,
        %add3A_702 = arith.constant 3 : i32
        %add3A_703 = arith.addi %add3A_649, %add3A_702 : i32
        %broadcast_in_dim3A_704 = arith.constant 0 : i32
        %broadcast_in_dim3A_705 = vector.broadcast %broadcast_in_dim3A_704 : i32 to vector<16xi32>
        %add3A_706 = vector.broadcast %add3A_703 : i32 to vector<16xi32>
        %add3A_707 = arith.addi %broadcast_in_dim3A_705, %add3A_706 : vector<16xi32>
        %get3A_708 = arith.index_cast %add3A_703 : i32 to index
        %get3A_709 = arith.constant 0 : index
        %get3A_710 = tpu.vector_load %arg6[%get3A_708, %get3A_709] {strides = array<i32>} : memref<128x64xf32, #tpu.memory_space<vmem>>, vector<16xf32>,
        tpu.vector_store_idx %arg10[%select_n3A, %rem3A_136, %add3A_707], %get3A_710 : memref<8x8x129xf32, #tpu.memory_space<vmem>>[vector<16xi32>, vector<16xi32>, vector<16xi32>], vector<16xf32>,
        %get3A_711 = arith.index_cast %add3A_703 : i32 to index
        %get3A_712 = arith.constant 16 : index
        %get3A_713 = tpu.vector_load %arg6[%get3A_711, %get3A_712] {strides = array<i32>} : memref<128x64xf32, #tpu.memory_space<vmem>>, vector<16xf32>,
        tpu.vector_store_idx %arg10[%select_n3A_62, %rem3A_142, %add3A_707], %get3A_713 : memref<8x8x129xf32, #tpu.memory_space<vmem>>[vector<16xi32>, vector<16xi32>, vector<16xi32>], vector<16xf32>,
        %get3A_714 = arith.index_cast %add3A_703 : i32 to index
        %get3A_715 = arith.constant 32 : index
        %get3A_716 = tpu.vector_load %arg6[%get3A_714, %get3A_715] {strides = array<i32>} : memref<128x64xf32, #tpu.memory_space<vmem>>, vector<16xf32>,
        tpu.vector_store_idx %arg10[%select_n3A_96, %rem3A_148, %add3A_707], %get3A_716 : memref<8x8x129xf32, #tpu.memory_space<vmem>>[vector<16xi32>, vector<16xi32>, vector<16xi32>], vector<16xf32>,
        %get3A_717 = arith.index_cast %add3A_703 : i32 to index
        %get3A_718 = arith.constant 48 : index
        %get3A_719 = tpu.vector_load %arg6[%get3A_717, %get3A_718] {strides = array<i32>} : memref<128x64xf32, #tpu.memory_space<vmem>>, vector<16xf32>,
        tpu.vector_store_idx %arg10[%select_n3A_130, %rem3A_154, %add3A_707], %get3A_719 : memref<8x8x129xf32, #tpu.memory_space<vmem>>[vector<16xi32>, vector<16xi32>, vector<16xi32>], vector<16xf32>,
      }
      %scan3A_318 = arith.constant 32 : i32
      %add3A_319 = arith.constant 4 : i32
      %add3A_320 = arith.addi %add3A_305, %add3A_319 : i32
      %lt3A_321 = arith.constant 200 : i32
      %lt3A_322 = arith.cmpi slt, %add3A_320, %lt3A_321 : i32
      %convert_element_type3A_323 = arith.extui %lt3A_322 : i1 to i32
      %cond3A_324 = arith.constant 0 : i32
      %cond3A_325 = arith.cmpi ne, %convert_element_type3A_323, %cond3A_324 : i32
      scf.if %cond3A_325 {
        %add3A_645 = arith.constant 4 : i32
        %add3A_646 = arith.addi %add3A_305, %add3A_645 : i32
        %mul3A_647 = arith.constant 128 : i32
        %mul3A_648 = arith.muli %add3A_646, %mul3A_647 : i32
        %dma_start3A_649 = tpu.memref_slice %arg5[%mul3A_648] : memref<25600xi32, #tpu.memory_space<vmem>> -> memref<128xi32, #tpu.memory_space<vmem>>
        %dma_start3A_650 = arith.constant 0 : i32
        %dma_start3A_651 = arith.constant 0 : i32
        %dma_start3A_652 = tpu.memref_slice %arg3[%dma_start3A_650, %dma_start3A_651] : memref<1000000x64xf32, #tpu.memory_space<hbm>> -> memref<1000000x64xf32, #tpu.memory_space<hbm>>
        tpu.enqueue_indirect_dma source(%dma_start3A_652 : memref<1000000x64xf32, #tpu.memory_space<hbm>>) target(%arg6 : memref<128x64xf32, #tpu.memory_space<vmem>>) offsets(%dma_start3A_649 : memref<128xi32, #tpu.memory_space<vmem>>) semaphore(%arg12 : memref<!tpu.dma_semaphore, #tpu.memory_space<semaphore_mem>>)
      } else {
      }
      %mul3A_326 = arith.constant 200 : i32
      %mul3A_327 = arith.muli %add3A, %mul3A_326 : i32
      %add3A_328 = arith.addi %mul3A_327, %add3A_305 : i32
      %jit3A_329 = arith.constant 32 : i32
      %div3A_330 = arith.divsi %add3A_328, %jit3A_329 : i32
      %sign3A_331 = arith.constant 0 : i32
      %sign3A_332 = arith.cmpi sgt, %add3A_328, %sign3A_331 : i32
      %sign3A_333 = arith.extui %sign3A_332 : i1 to i32
      %sign3A_334 = arith.constant 0 : i32
      %sign3A_335 = arith.cmpi slt, %add3A_328, %sign3A_334 : i32
      %sign3A_336 = arith.extui %sign3A_335 : i1 to i32
      %sign3A_337 = arith.subi %sign3A_333, %sign3A_336 : i32
      %sign3A_338 = arith.constant 0 : i32
      %sign3A_339 = arith.cmpi sgt, %jit3A_329, %sign3A_338 : i32
      %sign3A_340 = arith.extui %sign3A_339 : i1 to i32
      %sign3A_341 = arith.constant 0 : i32
      %sign3A_342 = arith.cmpi slt, %jit3A_329, %sign3A_341 : i32
      %sign3A_343 = arith.extui %sign3A_342 : i1 to i32
      %sign3A_344 = arith.subi %sign3A_340, %sign3A_343 : i32
      %ne3A_345 = arith.cmpi ne, %sign3A_337, %sign3A_344 : i32
      %rem3A_346 = arith.remsi %add3A_328, %jit3A_329 : i32
      %ne3A_347 = arith.constant 0 : i32
      %ne3A_348 = arith.cmpi ne, %rem3A_346, %ne3A_347 : i32
      %and3A_349 = arith.andi %ne3A_345, %ne3A_348 : i1
      %sub3A_350 = arith.constant 1 : i32
      %sub3A_351 = arith.subi %div3A_330, %sub3A_350 : i32
      %select_n3A_352 = arith.select %and3A_349, %sub3A_351, %div3A_330 : i32
      %jit3A_353 = arith.constant 32 : i32
      %eq3A_354 = arith.constant 0 : i32
      %eq3A_355 = arith.cmpi eq, %jit3A_353, %eq3A_354 : i32
      %jit3A_356 = arith.constant 1 : i32
      %select_n3A_357 = arith.select %eq3A_355, %jit3A_356, %jit3A_353 : i32
      %rem3A_358 = arith.remsi %add3A_328, %select_n3A_357 : i32
      %ne3A_359 = arith.constant 0 : i32
      %ne3A_360 = arith.cmpi ne, %rem3A_358, %ne3A_359 : i32
      %lt3A_361 = arith.constant 0 : i32
      %lt3A_362 = arith.cmpi slt, %rem3A_358, %lt3A_361 : i32
      %lt3A_363 = arith.constant 0 : i32
      %lt3A_364 = arith.cmpi slt, %select_n3A_357, %lt3A_363 : i32
      %ne3A_365 = arith.xori %lt3A_362, %lt3A_364 : i1
      %and3A_366 = arith.andi %ne3A_365, %ne3A_360 : i1
      %add3A_367 = arith.addi %rem3A_358, %select_n3A_357 : i32
      %select_n3A_368 = arith.select %and3A_366, %add3A_367, %rem3A_358 : i32
      %dma_start3A_369 = arith.constant 0 : i32
      %dma_start3A_370 = arith.constant 0 : i32
      %dma_start3A_371 = arith.constant 0 : i32
      %dma_start3A_372 = tpu.memref_slice %arg10[%dma_start3A_369, %dma_start3A_370, %dma_start3A_371] : memref<8x8x129xf32, #tpu.memory_space<vmem>> -> memref<8x8x128xf32, #tpu.memory_space<vmem>>
      %dma_start3A_373 = arith.constant 0 : i32
      %dma_start3A_374 = arith.constant 0 : i32
      %dma_start3A_375 = arith.constant 0 : i32
      %dma_start3A_376 = tpu.memref_slice %arg4[%select_n3A_352, %dma_start3A_373, %select_n3A_368, %dma_start3A_374, %dma_start3A_375] : memref<200x8x32x8x128xf32, #tpu.memory_space<hbm>> -> memref<1x8x1x8x128xf32, #tpu.memory_space<hbm>>
      %dma_start3A_377 = tpu.memref_squeeze %dma_start3A_376 : memref<1x8x1x8x128xf32, #tpu.memory_space<hbm>> -> memref<8x8x128xf32, #tpu.memory_space<hbm>>
      %dma_start3A_378 = arith.constant 0 : i32
      %dma_start3A_379 = arith.constant 0 : i32
      %dma_start3A_380 = arith.constant 0 : i32
      %dma_start3A_381 = tpu.memref_slice %arg4[%select_n3A_352, %dma_start3A_378, %select_n3A_368, %dma_start3A_379, %dma_start3A_380] : memref<200x8x32x8x128xf32, #tpu.memory_space<hbm>> -> memref<1x8x1x8x128xf32, #tpu.memory_space<hbm>>
      %dma_start3A_382 = tpu.memref_squeeze %dma_start3A_381 : memref<1x8x1x8x128xf32, #tpu.memory_space<hbm>> -> memref<8x8x128xf32, #tpu.memory_space<hbm>>
      %dma_start3A_383 = arith.constant 0 : i32
      %dma_start3A_384 = arith.constant 0 : i32
      %dma_start3A_385 = arith.constant 0 : i32
      %dma_start3A_386 = tpu.memref_slice %arg10[%dma_start3A_383, %dma_start3A_384, %dma_start3A_385] : memref<8x8x129xf32, #tpu.memory_space<vmem>> -> memref<8x8x128xf32, #tpu.memory_space<vmem>>
      tpu.enqueue_dma source(%dma_start3A_386 : memref<8x8x128xf32, #tpu.memory_space<vmem>>) target(%dma_start3A_382 : memref<8x8x128xf32, #tpu.memory_space<hbm>>) target_semaphore(%arg16 : memref<!tpu.dma_semaphore, #tpu.memory_space<semaphore_mem>>)
      %add3A_387 = arith.constant 1 : i32
      %add3A_388 = arith.addi %add3A_303, %add3A_387 : i32
      %mul3A_389 = arith.constant 128 : i32
      %mul3A_390 = arith.muli %add3A_388, %mul3A_389 : i32
      %dma_wait3A_391 = tpu.memref_slice %arg5[%mul3A_390] : memref<25600xi32, #tpu.memory_space<vmem>> -> memref<128xi32, #tpu.memory_space<vmem>>
      %dma_wait3A_392 = arith.constant 0 : i32
      %dma_wait3A_393 = arith.constant 0 : i32
      %dma_wait3A_394 = tpu.memref_slice %arg3[%dma_wait3A_392, %dma_wait3A_393] : memref<1000000x64xf32, #tpu.memory_space<hbm>> -> memref<1000000x64xf32, #tpu.memory_space<hbm>>
      tpu.wait_indirect_dma semaphore(%arg13 : memref<!tpu.dma_semaphore, #tpu.memory_space<semaphore_mem>>) src(%dma_wait3A_394 : memref<1000000x64xf32, #tpu.memory_space<hbm>>) dst(%arg7 : memref<128x64xf32, #tpu.memory_space<vmem>>)
      %ge3A_395 = arith.constant 2 : i32
      %ge3A_396 = arith.cmpi sge, %add3A_388, %ge3A_395 : i32
      %convert_element_type3A_397 = arith.extui %ge3A_396 : i1 to i32
      %cond3A_398 = arith.constant 0 : i32
      %cond3A_399 = arith.cmpi ne, %convert_element_type3A_397, %cond3A_398 : i32
      scf.if %cond3A_399 {
        %sub3A_645 = arith.constant 2 : i32
        %sub3A_646 = arith.subi %add3A_388, %sub3A_645 : i32
        %mul3A_647 = arith.constant 200 : i32
        %mul3A_648 = arith.muli %add3A, %mul3A_647 : i32
        %add3A_649 = arith.addi %mul3A_648, %sub3A_646 : i32
        %jit3A_650 = arith.constant 32 : i32
        %div3A_651 = arith.divsi %add3A_649, %jit3A_650 : i32
        %sign3A_652 = arith.constant 0 : i32
        %sign3A_653 = arith.cmpi sgt, %add3A_649, %sign3A_652 : i32
        %sign3A_654 = arith.extui %sign3A_653 : i1 to i32
        %sign3A_655 = arith.constant 0 : i32
        %sign3A_656 = arith.cmpi slt, %add3A_649, %sign3A_655 : i32
        %sign3A_657 = arith.extui %sign3A_656 : i1 to i32
        %sign3A_658 = arith.subi %sign3A_654, %sign3A_657 : i32
        %sign3A_659 = arith.constant 0 : i32
        %sign3A_660 = arith.cmpi sgt, %jit3A_650, %sign3A_659 : i32
        %sign3A_661 = arith.extui %sign3A_660 : i1 to i32
        %sign3A_662 = arith.constant 0 : i32
        %sign3A_663 = arith.cmpi slt, %jit3A_650, %sign3A_662 : i32
        %sign3A_664 = arith.extui %sign3A_663 : i1 to i32
        %sign3A_665 = arith.subi %sign3A_661, %sign3A_664 : i32
        %ne3A_666 = arith.cmpi ne, %sign3A_658, %sign3A_665 : i32
        %rem3A_667 = arith.remsi %add3A_649, %jit3A_650 : i32
        %ne3A_668 = arith.constant 0 : i32
        %ne3A_669 = arith.cmpi ne, %rem3A_667, %ne3A_668 : i32
        %and3A_670 = arith.andi %ne3A_666, %ne3A_669 : i1
        %sub3A_671 = arith.constant 1 : i32
        %sub3A_672 = arith.subi %div3A_651, %sub3A_671 : i32
        %select_n3A_673 = arith.select %and3A_670, %sub3A_672, %div3A_651 : i32
        %jit3A_674 = arith.constant 32 : i32
        %eq3A_675 = arith.constant 0 : i32
        %eq3A_676 = arith.cmpi eq, %jit3A_674, %eq3A_675 : i32
        %jit3A_677 = arith.constant 1 : i32
        %select_n3A_678 = arith.select %eq3A_676, %jit3A_677, %jit3A_674 : i32
        %rem3A_679 = arith.remsi %add3A_649, %select_n3A_678 : i32
        %ne3A_680 = arith.constant 0 : i32
        %ne3A_681 = arith.cmpi ne, %rem3A_679, %ne3A_680 : i32
        %lt3A_682 = arith.constant 0 : i32
        %lt3A_683 = arith.cmpi slt, %rem3A_679, %lt3A_682 : i32
        %lt3A_684 = arith.constant 0 : i32
        %lt3A_685 = arith.cmpi slt, %select_n3A_678, %lt3A_684 : i32
        %ne3A_686 = arith.xori %lt3A_683, %lt3A_685 : i1
        %and3A_687 = arith.andi %ne3A_686, %ne3A_681 : i1
        %add3A_688 = arith.addi %rem3A_679, %select_n3A_678 : i32
        %select_n3A_689 = arith.select %and3A_687, %add3A_688, %rem3A_679 : i32
        %dma_wait3A_690 = arith.constant 0 : i32
        %dma_wait3A_691 = arith.constant 0 : i32
        %dma_wait3A_692 = arith.constant 0 : i32
        %dma_wait3A_693 = tpu.memref_slice %arg11[%dma_wait3A_690, %dma_wait3A_691, %dma_wait3A_692] : memref<8x8x129xf32, #tpu.memory_space<vmem>> -> memref<8x8x128xf32, #tpu.memory_space<vmem>>
        %dma_wait3A_694 = arith.constant 0 : i32
        %dma_wait3A_695 = arith.constant 0 : i32
        %dma_wait3A_696 = arith.constant 0 : i32
        %dma_wait3A_697 = tpu.memref_slice %arg4[%select_n3A_673, %dma_wait3A_694, %select_n3A_689, %dma_wait3A_695, %dma_wait3A_696] : memref<200x8x32x8x128xf32, #tpu.memory_space<hbm>> -> memref<1x8x1x8x128xf32, #tpu.memory_space<hbm>>
        %dma_wait3A_698 = tpu.memref_squeeze %dma_wait3A_697 : memref<1x8x1x8x128xf32, #tpu.memory_space<hbm>> -> memref<8x8x128xf32, #tpu.memory_space<hbm>>
        %dma_wait3A_699 = arith.constant 0 : i32
        %dma_wait3A_700 = arith.constant 0 : i32
        %dma_wait3A_701 = arith.constant 0 : i32
        %dma_wait3A_702 = tpu.memref_slice %arg4[%select_n3A_673, %dma_wait3A_699, %select_n3A_689, %dma_wait3A_700, %dma_wait3A_701] : memref<200x8x32x8x128xf32, #tpu.memory_space<hbm>> -> memref<1x8x1x8x128xf32, #tpu.memory_space<hbm>>
        %dma_wait3A_703 = tpu.memref_squeeze %dma_wait3A_702 : memref<1x8x1x8x128xf32, #tpu.memory_space<hbm>> -> memref<8x8x128xf32, #tpu.memory_space<hbm>>
        %dma_wait3A_704 = arith.constant 0 : i32
        %dma_wait3A_705 = arith.constant 0 : i32
        %dma_wait3A_706 = arith.constant 0 : i32
        %dma_wait3A_707 = tpu.memref_slice %arg11[%dma_wait3A_704, %dma_wait3A_705, %dma_wait3A_706] : memref<8x8x129xf32, #tpu.memory_space<vmem>> -> memref<8x8x128xf32, #tpu.memory_space<vmem>>
        tpu.wait_dma2 semaphore(%arg17 : memref<!tpu.dma_semaphore, #tpu.memory_space<semaphore_mem>>) src(%dma_wait3A_707 : memref<8x8x128xf32, #tpu.memory_space<vmem>>) dst(%dma_wait3A_703 : memref<8x8x128xf32, #tpu.memory_space<hbm>>)
      } else {
      }
      %scan3A_400 = arith.constant 0 : i32
      %scan3A_401 = arith.constant 32 : i32
      %scan3A_402 = arith.addi %scan3A_400, %scan3A_401 : i32
      %scan3A_403 = arith.constant 1 : i32
      scf.for %scan3A_645 = %scan3A_400 to %scan3A_402 step %scan3A_403  : i32 {
        %mul3A_646 = arith.constant 4 : i32
        %mul3A_647 = arith.muli %scan3A_645, %mul3A_646 : i32
        %add3A_648 = arith.constant 0 : i32
        %add3A_649 = arith.addi %add3A_648, %mul3A_647 : i32
        %add3A_650 = arith.constant 0 : i32
        %add3A_651 = arith.addi %add3A_649, %add3A_650 : i32
        %broadcast_in_dim3A = arith.constant 0 : i32
        %broadcast_in_dim3A_652 = vector.broadcast %broadcast_in_dim3A : i32 to vector<16xi32>
        %add3A_653 = vector.broadcast %add3A_651 : i32 to vector<16xi32>
        %add3A_654 = arith.addi %broadcast_in_dim3A_652, %add3A_653 : vector<16xi32>
        %get3A = arith.index_cast %add3A_651 : i32 to index
        %get3A_655 = arith.constant 0 : index
        %get3A_656 = tpu.vector_load %arg7[%get3A, %get3A_655] {strides = array<i32>} : memref<128x64xf32, #tpu.memory_space<vmem>>, vector<16xf32>,
        tpu.vector_store_idx %arg11[%select_n3A, %rem3A_136, %add3A_654], %get3A_656 : memref<8x8x129xf32, #tpu.memory_space<vmem>>[vector<16xi32>, vector<16xi32>, vector<16xi32>], vector<16xf32>,
        %get3A_657 = arith.index_cast %add3A_651 : i32 to index
        %get3A_658 = arith.constant 16 : index
        %get3A_659 = tpu.vector_load %arg7[%get3A_657, %get3A_658] {strides = array<i32>} : memref<128x64xf32, #tpu.memory_space<vmem>>, vector<16xf32>,
        tpu.vector_store_idx %arg11[%select_n3A_62, %rem3A_142, %add3A_654], %get3A_659 : memref<8x8x129xf32, #tpu.memory_space<vmem>>[vector<16xi32>, vector<16xi32>, vector<16xi32>], vector<16xf32>,
        %get3A_660 = arith.index_cast %add3A_651 : i32 to index
        %get3A_661 = arith.constant 32 : index
        %get3A_662 = tpu.vector_load %arg7[%get3A_660, %get3A_661] {strides = array<i32>} : memref<128x64xf32, #tpu.memory_space<vmem>>, vector<16xf32>,
        tpu.vector_store_idx %arg11[%select_n3A_96, %rem3A_148, %add3A_654], %get3A_662 : memref<8x8x129xf32, #tpu.memory_space<vmem>>[vector<16xi32>, vector<16xi32>, vector<16xi32>], vector<16xf32>,
        %get3A_663 = arith.index_cast %add3A_651 : i32 to index
        %get3A_664 = arith.constant 48 : index
        %get3A_665 = tpu.vector_load %arg7[%get3A_663, %get3A_664] {strides = array<i32>} : memref<128x64xf32, #tpu.memory_space<vmem>>, vector<16xf32>,
        tpu.vector_store_idx %arg11[%select_n3A_130, %rem3A_154, %add3A_654], %get3A_665 : memref<8x8x129xf32, #tpu.memory_space<vmem>>[vector<16xi32>, vector<16xi32>, vector<16xi32>], vector<16xf32>,
        %add3A_666 = arith.constant 1 : i32
        %add3A_667 = arith.addi %add3A_649, %add3A_666 : i32
        %broadcast_in_dim3A_668 = arith.constant 0 : i32
        %broadcast_in_dim3A_669 = vector.broadcast %broadcast_in_dim3A_668 : i32 to vector<16xi32>
        %add3A_670 = vector.broadcast %add3A_667 : i32 to vector<16xi32>
        %add3A_671 = arith.addi %broadcast_in_dim3A_669, %add3A_670 : vector<16xi32>
        %get3A_672 = arith.index_cast %add3A_667 : i32 to index
        %get3A_673 = arith.constant 0 : index
        %get3A_674 = tpu.vector_load %arg7[%get3A_672, %get3A_673] {strides = array<i32>} : memref<128x64xf32, #tpu.memory_space<vmem>>, vector<16xf32>,
        tpu.vector_store_idx %arg11[%select_n3A, %rem3A_136, %add3A_671], %get3A_674 : memref<8x8x129xf32, #tpu.memory_space<vmem>>[vector<16xi32>, vector<16xi32>, vector<16xi32>], vector<16xf32>,
        %get3A_675 = arith.index_cast %add3A_667 : i32 to index
        %get3A_676 = arith.constant 16 : index
        %get3A_677 = tpu.vector_load %arg7[%get3A_675, %get3A_676] {strides = array<i32>} : memref<128x64xf32, #tpu.memory_space<vmem>>, vector<16xf32>,
        tpu.vector_store_idx %arg11[%select_n3A_62, %rem3A_142, %add3A_671], %get3A_677 : memref<8x8x129xf32, #tpu.memory_space<vmem>>[vector<16xi32>, vector<16xi32>, vector<16xi32>], vector<16xf32>,
        %get3A_678 = arith.index_cast %add3A_667 : i32 to index
        %get3A_679 = arith.constant 32 : index
        %get3A_680 = tpu.vector_load %arg7[%get3A_678, %get3A_679] {strides = array<i32>} : memref<128x64xf32, #tpu.memory_space<vmem>>, vector<16xf32>,
        tpu.vector_store_idx %arg11[%select_n3A_96, %rem3A_148, %add3A_671], %get3A_680 : memref<8x8x129xf32, #tpu.memory_space<vmem>>[vector<16xi32>, vector<16xi32>, vector<16xi32>], vector<16xf32>,
        %get3A_681 = arith.index_cast %add3A_667 : i32 to index
        %get3A_682 = arith.constant 48 : index
        %get3A_683 = tpu.vector_load %arg7[%get3A_681, %get3A_682] {strides = array<i32>} : memref<128x64xf32, #tpu.memory_space<vmem>>, vector<16xf32>,
        tpu.vector_store_idx %arg11[%select_n3A_130, %rem3A_154, %add3A_671], %get3A_683 : memref<8x8x129xf32, #tpu.memory_space<vmem>>[vector<16xi32>, vector<16xi32>, vector<16xi32>], vector<16xf32>,
        %add3A_684 = arith.constant 2 : i32
        %add3A_685 = arith.addi %add3A_649, %add3A_684 : i32
        %broadcast_in_dim3A_686 = arith.constant 0 : i32
        %broadcast_in_dim3A_687 = vector.broadcast %broadcast_in_dim3A_686 : i32 to vector<16xi32>
        %add3A_688 = vector.broadcast %add3A_685 : i32 to vector<16xi32>
        %add3A_689 = arith.addi %broadcast_in_dim3A_687, %add3A_688 : vector<16xi32>
        %get3A_690 = arith.index_cast %add3A_685 : i32 to index
        %get3A_691 = arith.constant 0 : index
        %get3A_692 = tpu.vector_load %arg7[%get3A_690, %get3A_691] {strides = array<i32>} : memref<128x64xf32, #tpu.memory_space<vmem>>, vector<16xf32>,
        tpu.vector_store_idx %arg11[%select_n3A, %rem3A_136, %add3A_689], %get3A_692 : memref<8x8x129xf32, #tpu.memory_space<vmem>>[vector<16xi32>, vector<16xi32>, vector<16xi32>], vector<16xf32>,
        %get3A_693 = arith.index_cast %add3A_685 : i32 to index
        %get3A_694 = arith.constant 16 : index
        %get3A_695 = tpu.vector_load %arg7[%get3A_693, %get3A_694] {strides = array<i32>} : memref<128x64xf32, #tpu.memory_space<vmem>>, vector<16xf32>,
        tpu.vector_store_idx %arg11[%select_n3A_62, %rem3A_142, %add3A_689], %get3A_695 : memref<8x8x129xf32, #tpu.memory_space<vmem>>[vector<16xi32>, vector<16xi32>, vector<16xi32>], vector<16xf32>,
        %get3A_696 = arith.index_cast %add3A_685 : i32 to index
        %get3A_697 = arith.constant 32 : index
        %get3A_698 = tpu.vector_load %arg7[%get3A_696, %get3A_697] {strides = array<i32>} : memref<128x64xf32, #tpu.memory_space<vmem>>, vector<16xf32>,
        tpu.vector_store_idx %arg11[%select_n3A_96, %rem3A_148, %add3A_689], %get3A_698 : memref<8x8x129xf32, #tpu.memory_space<vmem>>[vector<16xi32>, vector<16xi32>, vector<16xi32>], vector<16xf32>,
        %get3A_699 = arith.index_cast %add3A_685 : i32 to index
        %get3A_700 = arith.constant 48 : index
        %get3A_701 = tpu.vector_load %arg7[%get3A_699, %get3A_700] {strides = array<i32>} : memref<128x64xf32, #tpu.memory_space<vmem>>, vector<16xf32>,
        tpu.vector_store_idx %arg11[%select_n3A_130, %rem3A_154, %add3A_689], %get3A_701 : memref<8x8x129xf32, #tpu.memory_space<vmem>>[vector<16xi32>, vector<16xi32>, vector<16xi32>], vector<16xf32>,
        %add3A_702 = arith.constant 3 : i32
        %add3A_703 = arith.addi %add3A_649, %add3A_702 : i32
        %broadcast_in_dim3A_704 = arith.constant 0 : i32
        %broadcast_in_dim3A_705 = vector.broadcast %broadcast_in_dim3A_704 : i32 to vector<16xi32>
        %add3A_706 = vector.broadcast %add3A_703 : i32 to vector<16xi32>
        %add3A_707 = arith.addi %broadcast_in_dim3A_705, %add3A_706 : vector<16xi32>
        %get3A_708 = arith.index_cast %add3A_703 : i32 to index
        %get3A_709 = arith.constant 0 : index
        %get3A_710 = tpu.vector_load %arg7[%get3A_708, %get3A_709] {strides = array<i32>} : memref<128x64xf32, #tpu.memory_space<vmem>>, vector<16xf32>,
        tpu.vector_store_idx %arg11[%select_n3A, %rem3A_136, %add3A_707], %get3A_710 : memref<8x8x129xf32, #tpu.memory_space<vmem>>[vector<16xi32>, vector<16xi32>, vector<16xi32>], vector<16xf32>,
        %get3A_711 = arith.index_cast %add3A_703 : i32 to index
        %get3A_712 = arith.constant 16 : index
        %get3A_713 = tpu.vector_load %arg7[%get3A_711, %get3A_712] {strides = array<i32>} : memref<128x64xf32, #tpu.memory_space<vmem>>, vector<16xf32>,
        tpu.vector_store_idx %arg11[%select_n3A_62, %rem3A_142, %add3A_707], %get3A_713 : memref<8x8x129xf32, #tpu.memory_space<vmem>>[vector<16xi32>, vector<16xi32>, vector<16xi32>], vector<16xf32>,
        %get3A_714 = arith.index_cast %add3A_703 : i32 to index
        %get3A_715 = arith.constant 32 : index
        %get3A_716 = tpu.vector_load %arg7[%get3A_714, %get3A_715] {strides = array<i32>} : memref<128x64xf32, #tpu.memory_space<vmem>>, vector<16xf32>,
        tpu.vector_store_idx %arg11[%select_n3A_96, %rem3A_148, %add3A_707], %get3A_716 : memref<8x8x129xf32, #tpu.memory_space<vmem>>[vector<16xi32>, vector<16xi32>, vector<16xi32>], vector<16xf32>,
        %get3A_717 = arith.index_cast %add3A_703 : i32 to index
        %get3A_718 = arith.constant 48 : index
        %get3A_719 = tpu.vector_load %arg7[%get3A_717, %get3A_718] {strides = array<i32>} : memref<128x64xf32, #tpu.memory_space<vmem>>, vector<16xf32>,
        tpu.vector_store_idx %arg11[%select_n3A_130, %rem3A_154, %add3A_707], %get3A_719 : memref<8x8x129xf32, #tpu.memory_space<vmem>>[vector<16xi32>, vector<16xi32>, vector<16xi32>], vector<16xf32>,
      }
      %scan3A_404 = arith.constant 32 : i32
      %add3A_405 = arith.constant 4 : i32
      %add3A_406 = arith.addi %add3A_388, %add3A_405 : i32
      %lt3A_407 = arith.constant 200 : i32
      %lt3A_408 = arith.cmpi slt, %add3A_406, %lt3A_407 : i32
      %convert_element_type3A_409 = arith.extui %lt3A_408 : i1 to i32
      %cond3A_410 = arith.constant 0 : i32
      %cond3A_411 = arith.cmpi ne, %convert_element_type3A_409, %cond3A_410 : i32
      scf.if %cond3A_411 {
        %add3A_645 = arith.constant 4 : i32
        %add3A_646 = arith.addi %add3A_388, %add3A_645 : i32
        %mul3A_647 = arith.constant 128 : i32
        %mul3A_648 = arith.muli %add3A_646, %mul3A_647 : i32
        %dma_start3A_649 = tpu.memref_slice %arg5[%mul3A_648] : memref<25600xi32, #tpu.memory_space<vmem>> -> memref<128xi32, #tpu.memory_space<vmem>>
        %dma_start3A_650 = arith.constant 0 : i32
        %dma_start3A_651 = arith.constant 0 : i32
        %dma_start3A_652 = tpu.memref_slice %arg3[%dma_start3A_650, %dma_start3A_651] : memref<1000000x64xf32, #tpu.memory_space<hbm>> -> memref<1000000x64xf32, #tpu.memory_space<hbm>>
        tpu.enqueue_indirect_dma source(%dma_start3A_652 : memref<1000000x64xf32, #tpu.memory_space<hbm>>) target(%arg7 : memref<128x64xf32, #tpu.memory_space<vmem>>) offsets(%dma_start3A_649 : memref<128xi32, #tpu.memory_space<vmem>>) semaphore(%arg13 : memref<!tpu.dma_semaphore, #tpu.memory_space<semaphore_mem>>)
      } else {
      }
      %mul3A_412 = arith.constant 200 : i32
      %mul3A_413 = arith.muli %add3A, %mul3A_412 : i32
      %add3A_414 = arith.addi %mul3A_413, %add3A_388 : i32
      %jit3A_415 = arith.constant 32 : i32
      %div3A_416 = arith.divsi %add3A_414, %jit3A_415 : i32
      %sign3A_417 = arith.constant 0 : i32
      %sign3A_418 = arith.cmpi sgt, %add3A_414, %sign3A_417 : i32
      %sign3A_419 = arith.extui %sign3A_418 : i1 to i32
      %sign3A_420 = arith.constant 0 : i32
      %sign3A_421 = arith.cmpi slt, %add3A_414, %sign3A_420 : i32
      %sign3A_422 = arith.extui %sign3A_421 : i1 to i32
      %sign3A_423 = arith.subi %sign3A_419, %sign3A_422 : i32
      %sign3A_424 = arith.constant 0 : i32
      %sign3A_425 = arith.cmpi sgt, %jit3A_415, %sign3A_424 : i32
      %sign3A_426 = arith.extui %sign3A_425 : i1 to i32
      %sign3A_427 = arith.constant 0 : i32
      %sign3A_428 = arith.cmpi slt, %jit3A_415, %sign3A_427 : i32
      %sign3A_429 = arith.extui %sign3A_428 : i1 to i32
      %sign3A_430 = arith.subi %sign3A_426, %sign3A_429 : i32
      %ne3A_431 = arith.cmpi ne, %sign3A_423, %sign3A_430 : i32
      %rem3A_432 = arith.remsi %add3A_414, %jit3A_415 : i32
      %ne3A_433 = arith.constant 0 : i32
      %ne3A_434 = arith.cmpi ne, %rem3A_432, %ne3A_433 : i32
      %and3A_435 = arith.andi %ne3A_431, %ne3A_434 : i1
      %sub3A_436 = arith.constant 1 : i32
      %sub3A_437 = arith.subi %div3A_416, %sub3A_436 : i32
      %select_n3A_438 = arith.select %and3A_435, %sub3A_437, %div3A_416 : i32
      %jit3A_439 = arith.constant 32 : i32
      %eq3A_440 = arith.constant 0 : i32
      %eq3A_441 = arith.cmpi eq, %jit3A_439, %eq3A_440 : i32
      %jit3A_442 = arith.constant 1 : i32
      %select_n3A_443 = arith.select %eq3A_441, %jit3A_442, %jit3A_439 : i32
      %rem3A_444 = arith.remsi %add3A_414, %select_n3A_443 : i32
      %ne3A_445 = arith.constant 0 : i32
      %ne3A_446 = arith.cmpi ne, %rem3A_444, %ne3A_445 : i32
      %lt3A_447 = arith.constant 0 : i32
      %lt3A_448 = arith.cmpi slt, %rem3A_444, %lt3A_447 : i32
      %lt3A_449 = arith.constant 0 : i32
      %lt3A_450 = arith.cmpi slt, %select_n3A_443, %lt3A_449 : i32
      %ne3A_451 = arith.xori %lt3A_448, %lt3A_450 : i1
      %and3A_452 = arith.andi %ne3A_451, %ne3A_446 : i1
      %add3A_453 = arith.addi %rem3A_444, %select_n3A_443 : i32
      %select_n3A_454 = arith.select %and3A_452, %add3A_453, %rem3A_444 : i32
      %dma_start3A_455 = arith.constant 0 : i32
      %dma_start3A_456 = arith.constant 0 : i32
      %dma_start3A_457 = arith.constant 0 : i32
      %dma_start3A_458 = tpu.memref_slice %arg11[%dma_start3A_455, %dma_start3A_456, %dma_start3A_457] : memref<8x8x129xf32, #tpu.memory_space<vmem>> -> memref<8x8x128xf32, #tpu.memory_space<vmem>>
      %dma_start3A_459 = arith.constant 0 : i32
      %dma_start3A_460 = arith.constant 0 : i32
      %dma_start3A_461 = arith.constant 0 : i32
      %dma_start3A_462 = tpu.memref_slice %arg4[%select_n3A_438, %dma_start3A_459, %select_n3A_454, %dma_start3A_460, %dma_start3A_461] : memref<200x8x32x8x128xf32, #tpu.memory_space<hbm>> -> memref<1x8x1x8x128xf32, #tpu.memory_space<hbm>>
      %dma_start3A_463 = tpu.memref_squeeze %dma_start3A_462 : memref<1x8x1x8x128xf32, #tpu.memory_space<hbm>> -> memref<8x8x128xf32, #tpu.memory_space<hbm>>
      %dma_start3A_464 = arith.constant 0 : i32
      %dma_start3A_465 = arith.constant 0 : i32
      %dma_start3A_466 = arith.constant 0 : i32
      %dma_start3A_467 = tpu.memref_slice %arg4[%select_n3A_438, %dma_start3A_464, %select_n3A_454, %dma_start3A_465, %dma_start3A_466] : memref<200x8x32x8x128xf32, #tpu.memory_space<hbm>> -> memref<1x8x1x8x128xf32, #tpu.memory_space<hbm>>
      %dma_start3A_468 = tpu.memref_squeeze %dma_start3A_467 : memref<1x8x1x8x128xf32, #tpu.memory_space<hbm>> -> memref<8x8x128xf32, #tpu.memory_space<hbm>>
      %dma_start3A_469 = arith.constant 0 : i32
      %dma_start3A_470 = arith.constant 0 : i32
      %dma_start3A_471 = arith.constant 0 : i32
      %dma_start3A_472 = tpu.memref_slice %arg11[%dma_start3A_469, %dma_start3A_470, %dma_start3A_471] : memref<8x8x129xf32, #tpu.memory_space<vmem>> -> memref<8x8x128xf32, #tpu.memory_space<vmem>>
      tpu.enqueue_dma source(%dma_start3A_472 : memref<8x8x128xf32, #tpu.memory_space<vmem>>) target(%dma_start3A_468 : memref<8x8x128xf32, #tpu.memory_space<hbm>>) target_semaphore(%arg17 : memref<!tpu.dma_semaphore, #tpu.memory_space<semaphore_mem>>)
      %add3A_473 = arith.constant 2 : i32
      %add3A_474 = arith.addi %add3A_303, %add3A_473 : i32
      %mul3A_475 = arith.constant 128 : i32
      %mul3A_476 = arith.muli %add3A_474, %mul3A_475 : i32
      %dma_wait3A_477 = tpu.memref_slice %arg5[%mul3A_476] : memref<25600xi32, #tpu.memory_space<vmem>> -> memref<128xi32, #tpu.memory_space<vmem>>
      %dma_wait3A_478 = arith.constant 0 : i32
      %dma_wait3A_479 = arith.constant 0 : i32
      %dma_wait3A_480 = tpu.memref_slice %arg3[%dma_wait3A_478, %dma_wait3A_479] : memref<1000000x64xf32, #tpu.memory_space<hbm>> -> memref<1000000x64xf32, #tpu.memory_space<hbm>>
      tpu.wait_indirect_dma semaphore(%arg14 : memref<!tpu.dma_semaphore, #tpu.memory_space<semaphore_mem>>) src(%dma_wait3A_480 : memref<1000000x64xf32, #tpu.memory_space<hbm>>) dst(%arg8 : memref<128x64xf32, #tpu.memory_space<vmem>>)
      %ge3A_481 = arith.constant 2 : i32
      %ge3A_482 = arith.cmpi sge, %add3A_474, %ge3A_481 : i32
      %convert_element_type3A_483 = arith.extui %ge3A_482 : i1 to i32
      %cond3A_484 = arith.constant 0 : i32
      %cond3A_485 = arith.cmpi ne, %convert_element_type3A_483, %cond3A_484 : i32
      scf.if %cond3A_485 {
        %sub3A_645 = arith.constant 2 : i32
        %sub3A_646 = arith.subi %add3A_474, %sub3A_645 : i32
        %mul3A_647 = arith.constant 200 : i32
        %mul3A_648 = arith.muli %add3A, %mul3A_647 : i32
        %add3A_649 = arith.addi %mul3A_648, %sub3A_646 : i32
        %jit3A_650 = arith.constant 32 : i32
        %div3A_651 = arith.divsi %add3A_649, %jit3A_650 : i32
        %sign3A_652 = arith.constant 0 : i32
        %sign3A_653 = arith.cmpi sgt, %add3A_649, %sign3A_652 : i32
        %sign3A_654 = arith.extui %sign3A_653 : i1 to i32
        %sign3A_655 = arith.constant 0 : i32
        %sign3A_656 = arith.cmpi slt, %add3A_649, %sign3A_655 : i32
        %sign3A_657 = arith.extui %sign3A_656 : i1 to i32
        %sign3A_658 = arith.subi %sign3A_654, %sign3A_657 : i32
        %sign3A_659 = arith.constant 0 : i32
        %sign3A_660 = arith.cmpi sgt, %jit3A_650, %sign3A_659 : i32
        %sign3A_661 = arith.extui %sign3A_660 : i1 to i32
        %sign3A_662 = arith.constant 0 : i32
        %sign3A_663 = arith.cmpi slt, %jit3A_650, %sign3A_662 : i32
        %sign3A_664 = arith.extui %sign3A_663 : i1 to i32
        %sign3A_665 = arith.subi %sign3A_661, %sign3A_664 : i32
        %ne3A_666 = arith.cmpi ne, %sign3A_658, %sign3A_665 : i32
        %rem3A_667 = arith.remsi %add3A_649, %jit3A_650 : i32
        %ne3A_668 = arith.constant 0 : i32
        %ne3A_669 = arith.cmpi ne, %rem3A_667, %ne3A_668 : i32
        %and3A_670 = arith.andi %ne3A_666, %ne3A_669 : i1
        %sub3A_671 = arith.constant 1 : i32
        %sub3A_672 = arith.subi %div3A_651, %sub3A_671 : i32
        %select_n3A_673 = arith.select %and3A_670, %sub3A_672, %div3A_651 : i32
        %jit3A_674 = arith.constant 32 : i32
        %eq3A_675 = arith.constant 0 : i32
        %eq3A_676 = arith.cmpi eq, %jit3A_674, %eq3A_675 : i32
        %jit3A_677 = arith.constant 1 : i32
        %select_n3A_678 = arith.select %eq3A_676, %jit3A_677, %jit3A_674 : i32
        %rem3A_679 = arith.remsi %add3A_649, %select_n3A_678 : i32
        %ne3A_680 = arith.constant 0 : i32
        %ne3A_681 = arith.cmpi ne, %rem3A_679, %ne3A_680 : i32
        %lt3A_682 = arith.constant 0 : i32
        %lt3A_683 = arith.cmpi slt, %rem3A_679, %lt3A_682 : i32
        %lt3A_684 = arith.constant 0 : i32
        %lt3A_685 = arith.cmpi slt, %select_n3A_678, %lt3A_684 : i32
        %ne3A_686 = arith.xori %lt3A_683, %lt3A_685 : i1
        %and3A_687 = arith.andi %ne3A_686, %ne3A_681 : i1
        %add3A_688 = arith.addi %rem3A_679, %select_n3A_678 : i32
        %select_n3A_689 = arith.select %and3A_687, %add3A_688, %rem3A_679 : i32
        %dma_wait3A_690 = arith.constant 0 : i32
        %dma_wait3A_691 = arith.constant 0 : i32
        %dma_wait3A_692 = arith.constant 0 : i32
        %dma_wait3A_693 = tpu.memref_slice %arg10[%dma_wait3A_690, %dma_wait3A_691, %dma_wait3A_692] : memref<8x8x129xf32, #tpu.memory_space<vmem>> -> memref<8x8x128xf32, #tpu.memory_space<vmem>>
        %dma_wait3A_694 = arith.constant 0 : i32
        %dma_wait3A_695 = arith.constant 0 : i32
        %dma_wait3A_696 = arith.constant 0 : i32
        %dma_wait3A_697 = tpu.memref_slice %arg4[%select_n3A_673, %dma_wait3A_694, %select_n3A_689, %dma_wait3A_695, %dma_wait3A_696] : memref<200x8x32x8x128xf32, #tpu.memory_space<hbm>> -> memref<1x8x1x8x128xf32, #tpu.memory_space<hbm>>
        %dma_wait3A_698 = tpu.memref_squeeze %dma_wait3A_697 : memref<1x8x1x8x128xf32, #tpu.memory_space<hbm>> -> memref<8x8x128xf32, #tpu.memory_space<hbm>>
        %dma_wait3A_699 = arith.constant 0 : i32
        %dma_wait3A_700 = arith.constant 0 : i32
        %dma_wait3A_701 = arith.constant 0 : i32
        %dma_wait3A_702 = tpu.memref_slice %arg4[%select_n3A_673, %dma_wait3A_699, %select_n3A_689, %dma_wait3A_700, %dma_wait3A_701] : memref<200x8x32x8x128xf32, #tpu.memory_space<hbm>> -> memref<1x8x1x8x128xf32, #tpu.memory_space<hbm>>
        %dma_wait3A_703 = tpu.memref_squeeze %dma_wait3A_702 : memref<1x8x1x8x128xf32, #tpu.memory_space<hbm>> -> memref<8x8x128xf32, #tpu.memory_space<hbm>>
        %dma_wait3A_704 = arith.constant 0 : i32
        %dma_wait3A_705 = arith.constant 0 : i32
        %dma_wait3A_706 = arith.constant 0 : i32
        %dma_wait3A_707 = tpu.memref_slice %arg10[%dma_wait3A_704, %dma_wait3A_705, %dma_wait3A_706] : memref<8x8x129xf32, #tpu.memory_space<vmem>> -> memref<8x8x128xf32, #tpu.memory_space<vmem>>
        tpu.wait_dma2 semaphore(%arg16 : memref<!tpu.dma_semaphore, #tpu.memory_space<semaphore_mem>>) src(%dma_wait3A_707 : memref<8x8x128xf32, #tpu.memory_space<vmem>>) dst(%dma_wait3A_703 : memref<8x8x128xf32, #tpu.memory_space<hbm>>)
      } else {
      }
      %scan3A_486 = arith.constant 0 : i32
      %scan3A_487 = arith.constant 32 : i32
      %scan3A_488 = arith.addi %scan3A_486, %scan3A_487 : i32
      %scan3A_489 = arith.constant 1 : i32
      scf.for %scan3A_645 = %scan3A_486 to %scan3A_488 step %scan3A_489  : i32 {
        %mul3A_646 = arith.constant 4 : i32
        %mul3A_647 = arith.muli %scan3A_645, %mul3A_646 : i32
        %add3A_648 = arith.constant 0 : i32
        %add3A_649 = arith.addi %add3A_648, %mul3A_647 : i32
        %add3A_650 = arith.constant 0 : i32
        %add3A_651 = arith.addi %add3A_649, %add3A_650 : i32
        %broadcast_in_dim3A = arith.constant 0 : i32
        %broadcast_in_dim3A_652 = vector.broadcast %broadcast_in_dim3A : i32 to vector<16xi32>
        %add3A_653 = vector.broadcast %add3A_651 : i32 to vector<16xi32>
        %add3A_654 = arith.addi %broadcast_in_dim3A_652, %add3A_653 : vector<16xi32>
        %get3A = arith.index_cast %add3A_651 : i32 to index
        %get3A_655 = arith.constant 0 : index
        %get3A_656 = tpu.vector_load %arg8[%get3A, %get3A_655] {strides = array<i32>} : memref<128x64xf32, #tpu.memory_space<vmem>>, vector<16xf32>,
        tpu.vector_store_idx %arg10[%select_n3A, %rem3A_136, %add3A_654], %get3A_656 : memref<8x8x129xf32, #tpu.memory_space<vmem>>[vector<16xi32>, vector<16xi32>, vector<16xi32>], vector<16xf32>,
        %get3A_657 = arith.index_cast %add3A_651 : i32 to index
        %get3A_658 = arith.constant 16 : index
        %get3A_659 = tpu.vector_load %arg8[%get3A_657, %get3A_658] {strides = array<i32>} : memref<128x64xf32, #tpu.memory_space<vmem>>, vector<16xf32>,
        tpu.vector_store_idx %arg10[%select_n3A_62, %rem3A_142, %add3A_654], %get3A_659 : memref<8x8x129xf32, #tpu.memory_space<vmem>>[vector<16xi32>, vector<16xi32>, vector<16xi32>], vector<16xf32>,
        %get3A_660 = arith.index_cast %add3A_651 : i32 to index
        %get3A_661 = arith.constant 32 : index
        %get3A_662 = tpu.vector_load %arg8[%get3A_660, %get3A_661] {strides = array<i32>} : memref<128x64xf32, #tpu.memory_space<vmem>>, vector<16xf32>,
        tpu.vector_store_idx %arg10[%select_n3A_96, %rem3A_148, %add3A_654], %get3A_662 : memref<8x8x129xf32, #tpu.memory_space<vmem>>[vector<16xi32>, vector<16xi32>, vector<16xi32>], vector<16xf32>,
        %get3A_663 = arith.index_cast %add3A_651 : i32 to index
        %get3A_664 = arith.constant 48 : index
        %get3A_665 = tpu.vector_load %arg8[%get3A_663, %get3A_664] {strides = array<i32>} : memref<128x64xf32, #tpu.memory_space<vmem>>, vector<16xf32>,
        tpu.vector_store_idx %arg10[%select_n3A_130, %rem3A_154, %add3A_654], %get3A_665 : memref<8x8x129xf32, #tpu.memory_space<vmem>>[vector<16xi32>, vector<16xi32>, vector<16xi32>], vector<16xf32>,
        %add3A_666 = arith.constant 1 : i32
        %add3A_667 = arith.addi %add3A_649, %add3A_666 : i32
        %broadcast_in_dim3A_668 = arith.constant 0 : i32
        %broadcast_in_dim3A_669 = vector.broadcast %broadcast_in_dim3A_668 : i32 to vector<16xi32>
        %add3A_670 = vector.broadcast %add3A_667 : i32 to vector<16xi32>
        %add3A_671 = arith.addi %broadcast_in_dim3A_669, %add3A_670 : vector<16xi32>
        %get3A_672 = arith.index_cast %add3A_667 : i32 to index
        %get3A_673 = arith.constant 0 : index
        %get3A_674 = tpu.vector_load %arg8[%get3A_672, %get3A_673] {strides = array<i32>} : memref<128x64xf32, #tpu.memory_space<vmem>>, vector<16xf32>,
        tpu.vector_store_idx %arg10[%select_n3A, %rem3A_136, %add3A_671], %get3A_674 : memref<8x8x129xf32, #tpu.memory_space<vmem>>[vector<16xi32>, vector<16xi32>, vector<16xi32>], vector<16xf32>,
        %get3A_675 = arith.index_cast %add3A_667 : i32 to index
        %get3A_676 = arith.constant 16 : index
        %get3A_677 = tpu.vector_load %arg8[%get3A_675, %get3A_676] {strides = array<i32>} : memref<128x64xf32, #tpu.memory_space<vmem>>, vector<16xf32>,
        tpu.vector_store_idx %arg10[%select_n3A_62, %rem3A_142, %add3A_671], %get3A_677 : memref<8x8x129xf32, #tpu.memory_space<vmem>>[vector<16xi32>, vector<16xi32>, vector<16xi32>], vector<16xf32>,
        %get3A_678 = arith.index_cast %add3A_667 : i32 to index
        %get3A_679 = arith.constant 32 : index
        %get3A_680 = tpu.vector_load %arg8[%get3A_678, %get3A_679] {strides = array<i32>} : memref<128x64xf32, #tpu.memory_space<vmem>>, vector<16xf32>,
        tpu.vector_store_idx %arg10[%select_n3A_96, %rem3A_148, %add3A_671], %get3A_680 : memref<8x8x129xf32, #tpu.memory_space<vmem>>[vector<16xi32>, vector<16xi32>, vector<16xi32>], vector<16xf32>,
        %get3A_681 = arith.index_cast %add3A_667 : i32 to index
        %get3A_682 = arith.constant 48 : index
        %get3A_683 = tpu.vector_load %arg8[%get3A_681, %get3A_682] {strides = array<i32>} : memref<128x64xf32, #tpu.memory_space<vmem>>, vector<16xf32>,
        tpu.vector_store_idx %arg10[%select_n3A_130, %rem3A_154, %add3A_671], %get3A_683 : memref<8x8x129xf32, #tpu.memory_space<vmem>>[vector<16xi32>, vector<16xi32>, vector<16xi32>], vector<16xf32>,
        %add3A_684 = arith.constant 2 : i32
        %add3A_685 = arith.addi %add3A_649, %add3A_684 : i32
        %broadcast_in_dim3A_686 = arith.constant 0 : i32
        %broadcast_in_dim3A_687 = vector.broadcast %broadcast_in_dim3A_686 : i32 to vector<16xi32>
        %add3A_688 = vector.broadcast %add3A_685 : i32 to vector<16xi32>
        %add3A_689 = arith.addi %broadcast_in_dim3A_687, %add3A_688 : vector<16xi32>
        %get3A_690 = arith.index_cast %add3A_685 : i32 to index
        %get3A_691 = arith.constant 0 : index
        %get3A_692 = tpu.vector_load %arg8[%get3A_690, %get3A_691] {strides = array<i32>} : memref<128x64xf32, #tpu.memory_space<vmem>>, vector<16xf32>,
        tpu.vector_store_idx %arg10[%select_n3A, %rem3A_136, %add3A_689], %get3A_692 : memref<8x8x129xf32, #tpu.memory_space<vmem>>[vector<16xi32>, vector<16xi32>, vector<16xi32>], vector<16xf32>,
        %get3A_693 = arith.index_cast %add3A_685 : i32 to index
        %get3A_694 = arith.constant 16 : index
        %get3A_695 = tpu.vector_load %arg8[%get3A_693, %get3A_694] {strides = array<i32>} : memref<128x64xf32, #tpu.memory_space<vmem>>, vector<16xf32>,
        tpu.vector_store_idx %arg10[%select_n3A_62, %rem3A_142, %add3A_689], %get3A_695 : memref<8x8x129xf32, #tpu.memory_space<vmem>>[vector<16xi32>, vector<16xi32>, vector<16xi32>], vector<16xf32>,
        %get3A_696 = arith.index_cast %add3A_685 : i32 to index
        %get3A_697 = arith.constant 32 : index
        %get3A_698 = tpu.vector_load %arg8[%get3A_696, %get3A_697] {strides = array<i32>} : memref<128x64xf32, #tpu.memory_space<vmem>>, vector<16xf32>,
        tpu.vector_store_idx %arg10[%select_n3A_96, %rem3A_148, %add3A_689], %get3A_698 : memref<8x8x129xf32, #tpu.memory_space<vmem>>[vector<16xi32>, vector<16xi32>, vector<16xi32>], vector<16xf32>,
        %get3A_699 = arith.index_cast %add3A_685 : i32 to index
        %get3A_700 = arith.constant 48 : index
        %get3A_701 = tpu.vector_load %arg8[%get3A_699, %get3A_700] {strides = array<i32>} : memref<128x64xf32, #tpu.memory_space<vmem>>, vector<16xf32>,
        tpu.vector_store_idx %arg10[%select_n3A_130, %rem3A_154, %add3A_689], %get3A_701 : memref<8x8x129xf32, #tpu.memory_space<vmem>>[vector<16xi32>, vector<16xi32>, vector<16xi32>], vector<16xf32>,
        %add3A_702 = arith.constant 3 : i32
        %add3A_703 = arith.addi %add3A_649, %add3A_702 : i32
        %broadcast_in_dim3A_704 = arith.constant 0 : i32
        %broadcast_in_dim3A_705 = vector.broadcast %broadcast_in_dim3A_704 : i32 to vector<16xi32>
        %add3A_706 = vector.broadcast %add3A_703 : i32 to vector<16xi32>
        %add3A_707 = arith.addi %broadcast_in_dim3A_705, %add3A_706 : vector<16xi32>
        %get3A_708 = arith.index_cast %add3A_703 : i32 to index
        %get3A_709 = arith.constant 0 : index
        %get3A_710 = tpu.vector_load %arg8[%get3A_708, %get3A_709] {strides = array<i32>} : memref<128x64xf32, #tpu.memory_space<vmem>>, vector<16xf32>,
        tpu.vector_store_idx %arg10[%select_n3A, %rem3A_136, %add3A_707], %get3A_710 : memref<8x8x129xf32, #tpu.memory_space<vmem>>[vector<16xi32>, vector<16xi32>, vector<16xi32>], vector<16xf32>,
        %get3A_711 = arith.index_cast %add3A_703 : i32 to index
        %get3A_712 = arith.constant 16 : index
        %get3A_713 = tpu.vector_load %arg8[%get3A_711, %get3A_712] {strides = array<i32>} : memref<128x64xf32, #tpu.memory_space<vmem>>, vector<16xf32>,
        tpu.vector_store_idx %arg10[%select_n3A_62, %rem3A_142, %add3A_707], %get3A_713 : memref<8x8x129xf32, #tpu.memory_space<vmem>>[vector<16xi32>, vector<16xi32>, vector<16xi32>], vector<16xf32>,
        %get3A_714 = arith.index_cast %add3A_703 : i32 to index
        %get3A_715 = arith.constant 32 : index
        %get3A_716 = tpu.vector_load %arg8[%get3A_714, %get3A_715] {strides = array<i32>} : memref<128x64xf32, #tpu.memory_space<vmem>>, vector<16xf32>,
        tpu.vector_store_idx %arg10[%select_n3A_96, %rem3A_148, %add3A_707], %get3A_716 : memref<8x8x129xf32, #tpu.memory_space<vmem>>[vector<16xi32>, vector<16xi32>, vector<16xi32>], vector<16xf32>,
        %get3A_717 = arith.index_cast %add3A_703 : i32 to index
        %get3A_718 = arith.constant 48 : index
        %get3A_719 = tpu.vector_load %arg8[%get3A_717, %get3A_718] {strides = array<i32>} : memref<128x64xf32, #tpu.memory_space<vmem>>, vector<16xf32>,
        tpu.vector_store_idx %arg10[%select_n3A_130, %rem3A_154, %add3A_707], %get3A_719 : memref<8x8x129xf32, #tpu.memory_space<vmem>>[vector<16xi32>, vector<16xi32>, vector<16xi32>], vector<16xf32>,
      }
      %scan3A_490 = arith.constant 32 : i32
      %add3A_491 = arith.constant 4 : i32
      %add3A_492 = arith.addi %add3A_474, %add3A_491 : i32
      %lt3A_493 = arith.constant 200 : i32
      %lt3A_494 = arith.cmpi slt, %add3A_492, %lt3A_493 : i32
      %convert_element_type3A_495 = arith.extui %lt3A_494 : i1 to i32
      %cond3A_496 = arith.constant 0 : i32
      %cond3A_497 = arith.cmpi ne, %convert_element_type3A_495, %cond3A_496 : i32
      scf.if %cond3A_497 {
        %add3A_645 = arith.constant 4 : i32
        %add3A_646 = arith.addi %add3A_474, %add3A_645 : i32
        %mul3A_647 = arith.constant 128 : i32
        %mul3A_648 = arith.muli %add3A_646, %mul3A_647 : i32
        %dma_start3A_649 = tpu.memref_slice %arg5[%mul3A_648] : memref<25600xi32, #tpu.memory_space<vmem>> -> memref<128xi32, #tpu.memory_space<vmem>>
        %dma_start3A_650 = arith.constant 0 : i32
        %dma_start3A_651 = arith.constant 0 : i32
        %dma_start3A_652 = tpu.memref_slice %arg3[%dma_start3A_650, %dma_start3A_651] : memref<1000000x64xf32, #tpu.memory_space<hbm>> -> memref<1000000x64xf32, #tpu.memory_space<hbm>>
        tpu.enqueue_indirect_dma source(%dma_start3A_652 : memref<1000000x64xf32, #tpu.memory_space<hbm>>) target(%arg8 : memref<128x64xf32, #tpu.memory_space<vmem>>) offsets(%dma_start3A_649 : memref<128xi32, #tpu.memory_space<vmem>>) semaphore(%arg14 : memref<!tpu.dma_semaphore, #tpu.memory_space<semaphore_mem>>)
      } else {
      }
      %mul3A_498 = arith.constant 200 : i32
      %mul3A_499 = arith.muli %add3A, %mul3A_498 : i32
      %add3A_500 = arith.addi %mul3A_499, %add3A_474 : i32
      %jit3A_501 = arith.constant 32 : i32
      %div3A_502 = arith.divsi %add3A_500, %jit3A_501 : i32
      %sign3A_503 = arith.constant 0 : i32
      %sign3A_504 = arith.cmpi sgt, %add3A_500, %sign3A_503 : i32
      %sign3A_505 = arith.extui %sign3A_504 : i1 to i32
      %sign3A_506 = arith.constant 0 : i32
      %sign3A_507 = arith.cmpi slt, %add3A_500, %sign3A_506 : i32
      %sign3A_508 = arith.extui %sign3A_507 : i1 to i32
      %sign3A_509 = arith.subi %sign3A_505, %sign3A_508 : i32
      %sign3A_510 = arith.constant 0 : i32
      %sign3A_511 = arith.cmpi sgt, %jit3A_501, %sign3A_510 : i32
      %sign3A_512 = arith.extui %sign3A_511 : i1 to i32
      %sign3A_513 = arith.constant 0 : i32
      %sign3A_514 = arith.cmpi slt, %jit3A_501, %sign3A_513 : i32
      %sign3A_515 = arith.extui %sign3A_514 : i1 to i32
      %sign3A_516 = arith.subi %sign3A_512, %sign3A_515 : i32
      %ne3A_517 = arith.cmpi ne, %sign3A_509, %sign3A_516 : i32
      %rem3A_518 = arith.remsi %add3A_500, %jit3A_501 : i32
      %ne3A_519 = arith.constant 0 : i32
      %ne3A_520 = arith.cmpi ne, %rem3A_518, %ne3A_519 : i32
      %and3A_521 = arith.andi %ne3A_517, %ne3A_520 : i1
      %sub3A_522 = arith.constant 1 : i32
      %sub3A_523 = arith.subi %div3A_502, %sub3A_522 : i32
      %select_n3A_524 = arith.select %and3A_521, %sub3A_523, %div3A_502 : i32
      %jit3A_525 = arith.constant 32 : i32
      %eq3A_526 = arith.constant 0 : i32
      %eq3A_527 = arith.cmpi eq, %jit3A_525, %eq3A_526 : i32
      %jit3A_528 = arith.constant 1 : i32
      %select_n3A_529 = arith.select %eq3A_527, %jit3A_528, %jit3A_525 : i32
      %rem3A_530 = arith.remsi %add3A_500, %select_n3A_529 : i32
      %ne3A_531 = arith.constant 0 : i32
      %ne3A_532 = arith.cmpi ne, %rem3A_530, %ne3A_531 : i32
      %lt3A_533 = arith.constant 0 : i32
      %lt3A_534 = arith.cmpi slt, %rem3A_530, %lt3A_533 : i32
      %lt3A_535 = arith.constant 0 : i32
      %lt3A_536 = arith.cmpi slt, %select_n3A_529, %lt3A_535 : i32
      %ne3A_537 = arith.xori %lt3A_534, %lt3A_536 : i1
      %and3A_538 = arith.andi %ne3A_537, %ne3A_532 : i1
      %add3A_539 = arith.addi %rem3A_530, %select_n3A_529 : i32
      %select_n3A_540 = arith.select %and3A_538, %add3A_539, %rem3A_530 : i32
      %dma_start3A_541 = arith.constant 0 : i32
      %dma_start3A_542 = arith.constant 0 : i32
      %dma_start3A_543 = arith.constant 0 : i32
      %dma_start3A_544 = tpu.memref_slice %arg10[%dma_start3A_541, %dma_start3A_542, %dma_start3A_543] : memref<8x8x129xf32, #tpu.memory_space<vmem>> -> memref<8x8x128xf32, #tpu.memory_space<vmem>>
      %dma_start3A_545 = arith.constant 0 : i32
      %dma_start3A_546 = arith.constant 0 : i32
      %dma_start3A_547 = arith.constant 0 : i32
      %dma_start3A_548 = tpu.memref_slice %arg4[%select_n3A_524, %dma_start3A_545, %select_n3A_540, %dma_start3A_546, %dma_start3A_547] : memref<200x8x32x8x128xf32, #tpu.memory_space<hbm>> -> memref<1x8x1x8x128xf32, #tpu.memory_space<hbm>>
      %dma_start3A_549 = tpu.memref_squeeze %dma_start3A_548 : memref<1x8x1x8x128xf32, #tpu.memory_space<hbm>> -> memref<8x8x128xf32, #tpu.memory_space<hbm>>
      %dma_start3A_550 = arith.constant 0 : i32
      %dma_start3A_551 = arith.constant 0 : i32
      %dma_start3A_552 = arith.constant 0 : i32
      %dma_start3A_553 = tpu.memref_slice %arg4[%select_n3A_524, %dma_start3A_550, %select_n3A_540, %dma_start3A_551, %dma_start3A_552] : memref<200x8x32x8x128xf32, #tpu.memory_space<hbm>> -> memref<1x8x1x8x128xf32, #tpu.memory_space<hbm>>
      %dma_start3A_554 = tpu.memref_squeeze %dma_start3A_553 : memref<1x8x1x8x128xf32, #tpu.memory_space<hbm>> -> memref<8x8x128xf32, #tpu.memory_space<hbm>>
      %dma_start3A_555 = arith.constant 0 : i32
      %dma_start3A_556 = arith.constant 0 : i32
      %dma_start3A_557 = arith.constant 0 : i32
      %dma_start3A_558 = tpu.memref_slice %arg10[%dma_start3A_555, %dma_start3A_556, %dma_start3A_557] : memref<8x8x129xf32, #tpu.memory_space<vmem>> -> memref<8x8x128xf32, #tpu.memory_space<vmem>>
      tpu.enqueue_dma source(%dma_start3A_558 : memref<8x8x128xf32, #tpu.memory_space<vmem>>) target(%dma_start3A_554 : memref<8x8x128xf32, #tpu.memory_space<hbm>>) target_semaphore(%arg16 : memref<!tpu.dma_semaphore, #tpu.memory_space<semaphore_mem>>)
      %add3A_559 = arith.constant 3 : i32
      %add3A_560 = arith.addi %add3A_303, %add3A_559 : i32
      %mul3A_561 = arith.constant 128 : i32
      %mul3A_562 = arith.muli %add3A_560, %mul3A_561 : i32
      %dma_wait3A_563 = tpu.memref_slice %arg5[%mul3A_562] : memref<25600xi32, #tpu.memory_space<vmem>> -> memref<128xi32, #tpu.memory_space<vmem>>
      %dma_wait3A_564 = arith.constant 0 : i32
      %dma_wait3A_565 = arith.constant 0 : i32
      %dma_wait3A_566 = tpu.memref_slice %arg3[%dma_wait3A_564, %dma_wait3A_565] : memref<1000000x64xf32, #tpu.memory_space<hbm>> -> memref<1000000x64xf32, #tpu.memory_space<hbm>>
      tpu.wait_indirect_dma semaphore(%arg15 : memref<!tpu.dma_semaphore, #tpu.memory_space<semaphore_mem>>) src(%dma_wait3A_566 : memref<1000000x64xf32, #tpu.memory_space<hbm>>) dst(%arg9 : memref<128x64xf32, #tpu.memory_space<vmem>>)
      %ge3A_567 = arith.constant 2 : i32
      %ge3A_568 = arith.cmpi sge, %add3A_560, %ge3A_567 : i32
      %convert_element_type3A_569 = arith.extui %ge3A_568 : i1 to i32
      %cond3A_570 = arith.constant 0 : i32
      %cond3A_571 = arith.cmpi ne, %convert_element_type3A_569, %cond3A_570 : i32
      scf.if %cond3A_571 {
        %sub3A_645 = arith.constant 2 : i32
        %sub3A_646 = arith.subi %add3A_560, %sub3A_645 : i32
        %mul3A_647 = arith.constant 200 : i32
        %mul3A_648 = arith.muli %add3A, %mul3A_647 : i32
        %add3A_649 = arith.addi %mul3A_648, %sub3A_646 : i32
        %jit3A_650 = arith.constant 32 : i32
        %div3A_651 = arith.divsi %add3A_649, %jit3A_650 : i32
        %sign3A_652 = arith.constant 0 : i32
        %sign3A_653 = arith.cmpi sgt, %add3A_649, %sign3A_652 : i32
        %sign3A_654 = arith.extui %sign3A_653 : i1 to i32
        %sign3A_655 = arith.constant 0 : i32
        %sign3A_656 = arith.cmpi slt, %add3A_649, %sign3A_655 : i32
        %sign3A_657 = arith.extui %sign3A_656 : i1 to i32
        %sign3A_658 = arith.subi %sign3A_654, %sign3A_657 : i32
        %sign3A_659 = arith.constant 0 : i32
        %sign3A_660 = arith.cmpi sgt, %jit3A_650, %sign3A_659 : i32
        %sign3A_661 = arith.extui %sign3A_660 : i1 to i32
        %sign3A_662 = arith.constant 0 : i32
        %sign3A_663 = arith.cmpi slt, %jit3A_650, %sign3A_662 : i32
        %sign3A_664 = arith.extui %sign3A_663 : i1 to i32
        %sign3A_665 = arith.subi %sign3A_661, %sign3A_664 : i32
        %ne3A_666 = arith.cmpi ne, %sign3A_658, %sign3A_665 : i32
        %rem3A_667 = arith.remsi %add3A_649, %jit3A_650 : i32
        %ne3A_668 = arith.constant 0 : i32
        %ne3A_669 = arith.cmpi ne, %rem3A_667, %ne3A_668 : i32
        %and3A_670 = arith.andi %ne3A_666, %ne3A_669 : i1
        %sub3A_671 = arith.constant 1 : i32
        %sub3A_672 = arith.subi %div3A_651, %sub3A_671 : i32
        %select_n3A_673 = arith.select %and3A_670, %sub3A_672, %div3A_651 : i32
        %jit3A_674 = arith.constant 32 : i32
        %eq3A_675 = arith.constant 0 : i32
        %eq3A_676 = arith.cmpi eq, %jit3A_674, %eq3A_675 : i32
        %jit3A_677 = arith.constant 1 : i32
        %select_n3A_678 = arith.select %eq3A_676, %jit3A_677, %jit3A_674 : i32
        %rem3A_679 = arith.remsi %add3A_649, %select_n3A_678 : i32
        %ne3A_680 = arith.constant 0 : i32
        %ne3A_681 = arith.cmpi ne, %rem3A_679, %ne3A_680 : i32
        %lt3A_682 = arith.constant 0 : i32
        %lt3A_683 = arith.cmpi slt, %rem3A_679, %lt3A_682 : i32
        %lt3A_684 = arith.constant 0 : i32
        %lt3A_685 = arith.cmpi slt, %select_n3A_678, %lt3A_684 : i32
        %ne3A_686 = arith.xori %lt3A_683, %lt3A_685 : i1
        %and3A_687 = arith.andi %ne3A_686, %ne3A_681 : i1
        %add3A_688 = arith.addi %rem3A_679, %select_n3A_678 : i32
        %select_n3A_689 = arith.select %and3A_687, %add3A_688, %rem3A_679 : i32
        %dma_wait3A_690 = arith.constant 0 : i32
        %dma_wait3A_691 = arith.constant 0 : i32
        %dma_wait3A_692 = arith.constant 0 : i32
        %dma_wait3A_693 = tpu.memref_slice %arg11[%dma_wait3A_690, %dma_wait3A_691, %dma_wait3A_692] : memref<8x8x129xf32, #tpu.memory_space<vmem>> -> memref<8x8x128xf32, #tpu.memory_space<vmem>>
        %dma_wait3A_694 = arith.constant 0 : i32
        %dma_wait3A_695 = arith.constant 0 : i32
        %dma_wait3A_696 = arith.constant 0 : i32
        %dma_wait3A_697 = tpu.memref_slice %arg4[%select_n3A_673, %dma_wait3A_694, %select_n3A_689, %dma_wait3A_695, %dma_wait3A_696] : memref<200x8x32x8x128xf32, #tpu.memory_space<hbm>> -> memref<1x8x1x8x128xf32, #tpu.memory_space<hbm>>
        %dma_wait3A_698 = tpu.memref_squeeze %dma_wait3A_697 : memref<1x8x1x8x128xf32, #tpu.memory_space<hbm>> -> memref<8x8x128xf32, #tpu.memory_space<hbm>>
        %dma_wait3A_699 = arith.constant 0 : i32
        %dma_wait3A_700 = arith.constant 0 : i32
        %dma_wait3A_701 = arith.constant 0 : i32
        %dma_wait3A_702 = tpu.memref_slice %arg4[%select_n3A_673, %dma_wait3A_699, %select_n3A_689, %dma_wait3A_700, %dma_wait3A_701] : memref<200x8x32x8x128xf32, #tpu.memory_space<hbm>> -> memref<1x8x1x8x128xf32, #tpu.memory_space<hbm>>
        %dma_wait3A_703 = tpu.memref_squeeze %dma_wait3A_702 : memref<1x8x1x8x128xf32, #tpu.memory_space<hbm>> -> memref<8x8x128xf32, #tpu.memory_space<hbm>>
        %dma_wait3A_704 = arith.constant 0 : i32
        %dma_wait3A_705 = arith.constant 0 : i32
        %dma_wait3A_706 = arith.constant 0 : i32
        %dma_wait3A_707 = tpu.memref_slice %arg11[%dma_wait3A_704, %dma_wait3A_705, %dma_wait3A_706] : memref<8x8x129xf32, #tpu.memory_space<vmem>> -> memref<8x8x128xf32, #tpu.memory_space<vmem>>
        tpu.wait_dma2 semaphore(%arg17 : memref<!tpu.dma_semaphore, #tpu.memory_space<semaphore_mem>>) src(%dma_wait3A_707 : memref<8x8x128xf32, #tpu.memory_space<vmem>>) dst(%dma_wait3A_703 : memref<8x8x128xf32, #tpu.memory_space<hbm>>)
      } else {
      }
      %scan3A_572 = arith.constant 0 : i32
      %scan3A_573 = arith.constant 32 : i32
      %scan3A_574 = arith.addi %scan3A_572, %scan3A_573 : i32
      %scan3A_575 = arith.constant 1 : i32
      scf.for %scan3A_645 = %scan3A_572 to %scan3A_574 step %scan3A_575  : i32 {
        %mul3A_646 = arith.constant 4 : i32
        %mul3A_647 = arith.muli %scan3A_645, %mul3A_646 : i32
        %add3A_648 = arith.constant 0 : i32
        %add3A_649 = arith.addi %add3A_648, %mul3A_647 : i32
        %add3A_650 = arith.constant 0 : i32
        %add3A_651 = arith.addi %add3A_649, %add3A_650 : i32
        %broadcast_in_dim3A = arith.constant 0 : i32
        %broadcast_in_dim3A_652 = vector.broadcast %broadcast_in_dim3A : i32 to vector<16xi32>
        %add3A_653 = vector.broadcast %add3A_651 : i32 to vector<16xi32>
        %add3A_654 = arith.addi %broadcast_in_dim3A_652, %add3A_653 : vector<16xi32>
        %get3A = arith.index_cast %add3A_651 : i32 to index
        %get3A_655 = arith.constant 0 : index
        %get3A_656 = tpu.vector_load %arg9[%get3A, %get3A_655] {strides = array<i32>} : memref<128x64xf32, #tpu.memory_space<vmem>>, vector<16xf32>,
        tpu.vector_store_idx %arg11[%select_n3A, %rem3A_136, %add3A_654], %get3A_656 : memref<8x8x129xf32, #tpu.memory_space<vmem>>[vector<16xi32>, vector<16xi32>, vector<16xi32>], vector<16xf32>,
        %get3A_657 = arith.index_cast %add3A_651 : i32 to index
        %get3A_658 = arith.constant 16 : index
        %get3A_659 = tpu.vector_load %arg9[%get3A_657, %get3A_658] {strides = array<i32>} : memref<128x64xf32, #tpu.memory_space<vmem>>, vector<16xf32>,
        tpu.vector_store_idx %arg11[%select_n3A_62, %rem3A_142, %add3A_654], %get3A_659 : memref<8x8x129xf32, #tpu.memory_space<vmem>>[vector<16xi32>, vector<16xi32>, vector<16xi32>], vector<16xf32>,
        %get3A_660 = arith.index_cast %add3A_651 : i32 to index
        %get3A_661 = arith.constant 32 : index
        %get3A_662 = tpu.vector_load %arg9[%get3A_660, %get3A_661] {strides = array<i32>} : memref<128x64xf32, #tpu.memory_space<vmem>>, vector<16xf32>,
        tpu.vector_store_idx %arg11[%select_n3A_96, %rem3A_148, %add3A_654], %get3A_662 : memref<8x8x129xf32, #tpu.memory_space<vmem>>[vector<16xi32>, vector<16xi32>, vector<16xi32>], vector<16xf32>,
        %get3A_663 = arith.index_cast %add3A_651 : i32 to index
        %get3A_664 = arith.constant 48 : index
        %get3A_665 = tpu.vector_load %arg9[%get3A_663, %get3A_664] {strides = array<i32>} : memref<128x64xf32, #tpu.memory_space<vmem>>, vector<16xf32>,
        tpu.vector_store_idx %arg11[%select_n3A_130, %rem3A_154, %add3A_654], %get3A_665 : memref<8x8x129xf32, #tpu.memory_space<vmem>>[vector<16xi32>, vector<16xi32>, vector<16xi32>], vector<16xf32>,
        %add3A_666 = arith.constant 1 : i32
        %add3A_667 = arith.addi %add3A_649, %add3A_666 : i32
        %broadcast_in_dim3A_668 = arith.constant 0 : i32
        %broadcast_in_dim3A_669 = vector.broadcast %broadcast_in_dim3A_668 : i32 to vector<16xi32>
        %add3A_670 = vector.broadcast %add3A_667 : i32 to vector<16xi32>
        %add3A_671 = arith.addi %broadcast_in_dim3A_669, %add3A_670 : vector<16xi32>
        %get3A_672 = arith.index_cast %add3A_667 : i32 to index
        %get3A_673 = arith.constant 0 : index
        %get3A_674 = tpu.vector_load %arg9[%get3A_672, %get3A_673] {strides = array<i32>} : memref<128x64xf32, #tpu.memory_space<vmem>>, vector<16xf32>,
        tpu.vector_store_idx %arg11[%select_n3A, %rem3A_136, %add3A_671], %get3A_674 : memref<8x8x129xf32, #tpu.memory_space<vmem>>[vector<16xi32>, vector<16xi32>, vector<16xi32>], vector<16xf32>,
        %get3A_675 = arith.index_cast %add3A_667 : i32 to index
        %get3A_676 = arith.constant 16 : index
        %get3A_677 = tpu.vector_load %arg9[%get3A_675, %get3A_676] {strides = array<i32>} : memref<128x64xf32, #tpu.memory_space<vmem>>, vector<16xf32>,
        tpu.vector_store_idx %arg11[%select_n3A_62, %rem3A_142, %add3A_671], %get3A_677 : memref<8x8x129xf32, #tpu.memory_space<vmem>>[vector<16xi32>, vector<16xi32>, vector<16xi32>], vector<16xf32>,
        %get3A_678 = arith.index_cast %add3A_667 : i32 to index
        %get3A_679 = arith.constant 32 : index
        %get3A_680 = tpu.vector_load %arg9[%get3A_678, %get3A_679] {strides = array<i32>} : memref<128x64xf32, #tpu.memory_space<vmem>>, vector<16xf32>,
        tpu.vector_store_idx %arg11[%select_n3A_96, %rem3A_148, %add3A_671], %get3A_680 : memref<8x8x129xf32, #tpu.memory_space<vmem>>[vector<16xi32>, vector<16xi32>, vector<16xi32>], vector<16xf32>,
        %get3A_681 = arith.index_cast %add3A_667 : i32 to index
        %get3A_682 = arith.constant 48 : index
        %get3A_683 = tpu.vector_load %arg9[%get3A_681, %get3A_682] {strides = array<i32>} : memref<128x64xf32, #tpu.memory_space<vmem>>, vector<16xf32>,
        tpu.vector_store_idx %arg11[%select_n3A_130, %rem3A_154, %add3A_671], %get3A_683 : memref<8x8x129xf32, #tpu.memory_space<vmem>>[vector<16xi32>, vector<16xi32>, vector<16xi32>], vector<16xf32>,
        %add3A_684 = arith.constant 2 : i32
        %add3A_685 = arith.addi %add3A_649, %add3A_684 : i32
        %broadcast_in_dim3A_686 = arith.constant 0 : i32
        %broadcast_in_dim3A_687 = vector.broadcast %broadcast_in_dim3A_686 : i32 to vector<16xi32>
        %add3A_688 = vector.broadcast %add3A_685 : i32 to vector<16xi32>
        %add3A_689 = arith.addi %broadcast_in_dim3A_687, %add3A_688 : vector<16xi32>
        %get3A_690 = arith.index_cast %add3A_685 : i32 to index
        %get3A_691 = arith.constant 0 : index
        %get3A_692 = tpu.vector_load %arg9[%get3A_690, %get3A_691] {strides = array<i32>} : memref<128x64xf32, #tpu.memory_space<vmem>>, vector<16xf32>,
        tpu.vector_store_idx %arg11[%select_n3A, %rem3A_136, %add3A_689], %get3A_692 : memref<8x8x129xf32, #tpu.memory_space<vmem>>[vector<16xi32>, vector<16xi32>, vector<16xi32>], vector<16xf32>,
        %get3A_693 = arith.index_cast %add3A_685 : i32 to index
        %get3A_694 = arith.constant 16 : index
        %get3A_695 = tpu.vector_load %arg9[%get3A_693, %get3A_694] {strides = array<i32>} : memref<128x64xf32, #tpu.memory_space<vmem>>, vector<16xf32>,
        tpu.vector_store_idx %arg11[%select_n3A_62, %rem3A_142, %add3A_689], %get3A_695 : memref<8x8x129xf32, #tpu.memory_space<vmem>>[vector<16xi32>, vector<16xi32>, vector<16xi32>], vector<16xf32>,
        %get3A_696 = arith.index_cast %add3A_685 : i32 to index
        %get3A_697 = arith.constant 32 : index
        %get3A_698 = tpu.vector_load %arg9[%get3A_696, %get3A_697] {strides = array<i32>} : memref<128x64xf32, #tpu.memory_space<vmem>>, vector<16xf32>,
        tpu.vector_store_idx %arg11[%select_n3A_96, %rem3A_148, %add3A_689], %get3A_698 : memref<8x8x129xf32, #tpu.memory_space<vmem>>[vector<16xi32>, vector<16xi32>, vector<16xi32>], vector<16xf32>,
        %get3A_699 = arith.index_cast %add3A_685 : i32 to index
        %get3A_700 = arith.constant 48 : index
        %get3A_701 = tpu.vector_load %arg9[%get3A_699, %get3A_700] {strides = array<i32>} : memref<128x64xf32, #tpu.memory_space<vmem>>, vector<16xf32>,
        tpu.vector_store_idx %arg11[%select_n3A_130, %rem3A_154, %add3A_689], %get3A_701 : memref<8x8x129xf32, #tpu.memory_space<vmem>>[vector<16xi32>, vector<16xi32>, vector<16xi32>], vector<16xf32>,
        %add3A_702 = arith.constant 3 : i32
        %add3A_703 = arith.addi %add3A_649, %add3A_702 : i32
        %broadcast_in_dim3A_704 = arith.constant 0 : i32
        %broadcast_in_dim3A_705 = vector.broadcast %broadcast_in_dim3A_704 : i32 to vector<16xi32>
        %add3A_706 = vector.broadcast %add3A_703 : i32 to vector<16xi32>
        %add3A_707 = arith.addi %broadcast_in_dim3A_705, %add3A_706 : vector<16xi32>
        %get3A_708 = arith.index_cast %add3A_703 : i32 to index
        %get3A_709 = arith.constant 0 : index
        %get3A_710 = tpu.vector_load %arg9[%get3A_708, %get3A_709] {strides = array<i32>} : memref<128x64xf32, #tpu.memory_space<vmem>>, vector<16xf32>,
        tpu.vector_store_idx %arg11[%select_n3A, %rem3A_136, %add3A_707], %get3A_710 : memref<8x8x129xf32, #tpu.memory_space<vmem>>[vector<16xi32>, vector<16xi32>, vector<16xi32>], vector<16xf32>,
        %get3A_711 = arith.index_cast %add3A_703 : i32 to index
        %get3A_712 = arith.constant 16 : index
        %get3A_713 = tpu.vector_load %arg9[%get3A_711, %get3A_712] {strides = array<i32>} : memref<128x64xf32, #tpu.memory_space<vmem>>, vector<16xf32>,
        tpu.vector_store_idx %arg11[%select_n3A_62, %rem3A_142, %add3A_707], %get3A_713 : memref<8x8x129xf32, #tpu.memory_space<vmem>>[vector<16xi32>, vector<16xi32>, vector<16xi32>], vector<16xf32>,
        %get3A_714 = arith.index_cast %add3A_703 : i32 to index
        %get3A_715 = arith.constant 32 : index
        %get3A_716 = tpu.vector_load %arg9[%get3A_714, %get3A_715] {strides = array<i32>} : memref<128x64xf32, #tpu.memory_space<vmem>>, vector<16xf32>,
        tpu.vector_store_idx %arg11[%select_n3A_96, %rem3A_148, %add3A_707], %get3A_716 : memref<8x8x129xf32, #tpu.memory_space<vmem>>[vector<16xi32>, vector<16xi32>, vector<16xi32>], vector<16xf32>,
        %get3A_717 = arith.index_cast %add3A_703 : i32 to index
        %get3A_718 = arith.constant 48 : index
        %get3A_719 = tpu.vector_load %arg9[%get3A_717, %get3A_718] {strides = array<i32>} : memref<128x64xf32, #tpu.memory_space<vmem>>, vector<16xf32>,
        tpu.vector_store_idx %arg11[%select_n3A_130, %rem3A_154, %add3A_707], %get3A_719 : memref<8x8x129xf32, #tpu.memory_space<vmem>>[vector<16xi32>, vector<16xi32>, vector<16xi32>], vector<16xf32>,
      }
      %scan3A_576 = arith.constant 32 : i32
      %add3A_577 = arith.constant 4 : i32
      %add3A_578 = arith.addi %add3A_560, %add3A_577 : i32
      %lt3A_579 = arith.constant 200 : i32
      %lt3A_580 = arith.cmpi slt, %add3A_578, %lt3A_579 : i32
      %convert_element_type3A_581 = arith.extui %lt3A_580 : i1 to i32
      %cond3A_582 = arith.constant 0 : i32
      %cond3A_583 = arith.cmpi ne, %convert_element_type3A_581, %cond3A_582 : i32
      scf.if %cond3A_583 {
        %add3A_645 = arith.constant 4 : i32
        %add3A_646 = arith.addi %add3A_560, %add3A_645 : i32
        %mul3A_647 = arith.constant 128 : i32
        %mul3A_648 = arith.muli %add3A_646, %mul3A_647 : i32
        %dma_start3A_649 = tpu.memref_slice %arg5[%mul3A_648] : memref<25600xi32, #tpu.memory_space<vmem>> -> memref<128xi32, #tpu.memory_space<vmem>>
        %dma_start3A_650 = arith.constant 0 : i32
        %dma_start3A_651 = arith.constant 0 : i32
        %dma_start3A_652 = tpu.memref_slice %arg3[%dma_start3A_650, %dma_start3A_651] : memref<1000000x64xf32, #tpu.memory_space<hbm>> -> memref<1000000x64xf32, #tpu.memory_space<hbm>>
        tpu.enqueue_indirect_dma source(%dma_start3A_652 : memref<1000000x64xf32, #tpu.memory_space<hbm>>) target(%arg9 : memref<128x64xf32, #tpu.memory_space<vmem>>) offsets(%dma_start3A_649 : memref<128xi32, #tpu.memory_space<vmem>>) semaphore(%arg15 : memref<!tpu.dma_semaphore, #tpu.memory_space<semaphore_mem>>)
      } else {
      }
      %mul3A_584 = arith.constant 200 : i32
      %mul3A_585 = arith.muli %add3A, %mul3A_584 : i32
      %add3A_586 = arith.addi %mul3A_585, %add3A_560 : i32
      %jit3A_587 = arith.constant 32 : i32
      %div3A_588 = arith.divsi %add3A_586, %jit3A_587 : i32
      %sign3A_589 = arith.constant 0 : i32
      %sign3A_590 = arith.cmpi sgt, %add3A_586, %sign3A_589 : i32
      %sign3A_591 = arith.extui %sign3A_590 : i1 to i32
      %sign3A_592 = arith.constant 0 : i32
      %sign3A_593 = arith.cmpi slt, %add3A_586, %sign3A_592 : i32
      %sign3A_594 = arith.extui %sign3A_593 : i1 to i32
      %sign3A_595 = arith.subi %sign3A_591, %sign3A_594 : i32
      %sign3A_596 = arith.constant 0 : i32
      %sign3A_597 = arith.cmpi sgt, %jit3A_587, %sign3A_596 : i32
      %sign3A_598 = arith.extui %sign3A_597 : i1 to i32
      %sign3A_599 = arith.constant 0 : i32
      %sign3A_600 = arith.cmpi slt, %jit3A_587, %sign3A_599 : i32
      %sign3A_601 = arith.extui %sign3A_600 : i1 to i32
      %sign3A_602 = arith.subi %sign3A_598, %sign3A_601 : i32
      %ne3A_603 = arith.cmpi ne, %sign3A_595, %sign3A_602 : i32
      %rem3A_604 = arith.remsi %add3A_586, %jit3A_587 : i32
      %ne3A_605 = arith.constant 0 : i32
      %ne3A_606 = arith.cmpi ne, %rem3A_604, %ne3A_605 : i32
      %and3A_607 = arith.andi %ne3A_603, %ne3A_606 : i1
      %sub3A_608 = arith.constant 1 : i32
      %sub3A_609 = arith.subi %div3A_588, %sub3A_608 : i32
      %select_n3A_610 = arith.select %and3A_607, %sub3A_609, %div3A_588 : i32
      %jit3A_611 = arith.constant 32 : i32
      %eq3A_612 = arith.constant 0 : i32
      %eq3A_613 = arith.cmpi eq, %jit3A_611, %eq3A_612 : i32
      %jit3A_614 = arith.constant 1 : i32
      %select_n3A_615 = arith.select %eq3A_613, %jit3A_614, %jit3A_611 : i32
      %rem3A_616 = arith.remsi %add3A_586, %select_n3A_615 : i32
      %ne3A_617 = arith.constant 0 : i32
      %ne3A_618 = arith.cmpi ne, %rem3A_616, %ne3A_617 : i32
      %lt3A_619 = arith.constant 0 : i32
      %lt3A_620 = arith.cmpi slt, %rem3A_616, %lt3A_619 : i32
      %lt3A_621 = arith.constant 0 : i32
      %lt3A_622 = arith.cmpi slt, %select_n3A_615, %lt3A_621 : i32
      %ne3A_623 = arith.xori %lt3A_620, %lt3A_622 : i1
      %and3A_624 = arith.andi %ne3A_623, %ne3A_618 : i1
      %add3A_625 = arith.addi %rem3A_616, %select_n3A_615 : i32
      %select_n3A_626 = arith.select %and3A_624, %add3A_625, %rem3A_616 : i32
      %dma_start3A_627 = arith.constant 0 : i32
      %dma_start3A_628 = arith.constant 0 : i32
      %dma_start3A_629 = arith.constant 0 : i32
      %dma_start3A_630 = tpu.memref_slice %arg11[%dma_start3A_627, %dma_start3A_628, %dma_start3A_629] : memref<8x8x129xf32, #tpu.memory_space<vmem>> -> memref<8x8x128xf32, #tpu.memory_space<vmem>>
      %dma_start3A_631 = arith.constant 0 : i32
      %dma_start3A_632 = arith.constant 0 : i32
      %dma_start3A_633 = arith.constant 0 : i32
      %dma_start3A_634 = tpu.memref_slice %arg4[%select_n3A_610, %dma_start3A_631, %select_n3A_626, %dma_start3A_632, %dma_start3A_633] : memref<200x8x32x8x128xf32, #tpu.memory_space<hbm>> -> memref<1x8x1x8x128xf32, #tpu.memory_space<hbm>>
      %dma_start3A_635 = tpu.memref_squeeze %dma_start3A_634 : memref<1x8x1x8x128xf32, #tpu.memory_space<hbm>> -> memref<8x8x128xf32, #tpu.memory_space<hbm>>
      %dma_start3A_636 = arith.constant 0 : i32
      %dma_start3A_637 = arith.constant 0 : i32
      %dma_start3A_638 = arith.constant 0 : i32
      %dma_start3A_639 = tpu.memref_slice %arg4[%select_n3A_610, %dma_start3A_636, %select_n3A_626, %dma_start3A_637, %dma_start3A_638] : memref<200x8x32x8x128xf32, #tpu.memory_space<hbm>> -> memref<1x8x1x8x128xf32, #tpu.memory_space<hbm>>
      %dma_start3A_640 = tpu.memref_squeeze %dma_start3A_639 : memref<1x8x1x8x128xf32, #tpu.memory_space<hbm>> -> memref<8x8x128xf32, #tpu.memory_space<hbm>>
      %dma_start3A_641 = arith.constant 0 : i32
      %dma_start3A_642 = arith.constant 0 : i32
      %dma_start3A_643 = arith.constant 0 : i32
      %dma_start3A_644 = tpu.memref_slice %arg11[%dma_start3A_641, %dma_start3A_642, %dma_start3A_643] : memref<8x8x129xf32, #tpu.memory_space<vmem>> -> memref<8x8x128xf32, #tpu.memory_space<vmem>>
      tpu.enqueue_dma source(%dma_start3A_644 : memref<8x8x128xf32, #tpu.memory_space<vmem>>) target(%dma_start3A_640 : memref<8x8x128xf32, #tpu.memory_space<hbm>>) target_semaphore(%arg17 : memref<!tpu.dma_semaphore, #tpu.memory_space<semaphore_mem>>)
    }
    %scan3A_177 = arith.constant 50 : i32
    %mul3A_178 = arith.constant 200 : i32
    %mul3A_179 = arith.muli %add3A, %mul3A_178 : i32
    %add3A_180 = arith.constant 198 : i32
    %add3A_181 = arith.addi %mul3A_179, %add3A_180 : i32
    %jit3A_182 = arith.constant 32 : i32
    %div3A_183 = arith.divsi %add3A_181, %jit3A_182 : i32
    %sign3A_184 = arith.constant 0 : i32
    %sign3A_185 = arith.cmpi sgt, %add3A_181, %sign3A_184 : i32
    %sign3A_186 = arith.extui %sign3A_185 : i1 to i32
    %sign3A_187 = arith.constant 0 : i32
    %sign3A_188 = arith.cmpi slt, %add3A_181, %sign3A_187 : i32
    %sign3A_189 = arith.extui %sign3A_188 : i1 to i32
    %sign3A_190 = arith.subi %sign3A_186, %sign3A_189 : i32
    %sign3A_191 = arith.constant 0 : i32
    %sign3A_192 = arith.cmpi sgt, %jit3A_182, %sign3A_191 : i32
    %sign3A_193 = arith.extui %sign3A_192 : i1 to i32
    %sign3A_194 = arith.constant 0 : i32
    %sign3A_195 = arith.cmpi slt, %jit3A_182, %sign3A_194 : i32
    %sign3A_196 = arith.extui %sign3A_195 : i1 to i32
    %sign3A_197 = arith.subi %sign3A_193, %sign3A_196 : i32
    %ne3A_198 = arith.cmpi ne, %sign3A_190, %sign3A_197 : i32
    %rem3A_199 = arith.remsi %add3A_181, %jit3A_182 : i32
    %ne3A_200 = arith.constant 0 : i32
    %ne3A_201 = arith.cmpi ne, %rem3A_199, %ne3A_200 : i32
    %and3A_202 = arith.andi %ne3A_198, %ne3A_201 : i1
    %sub3A_203 = arith.constant 1 : i32
    %sub3A_204 = arith.subi %div3A_183, %sub3A_203 : i32
    %select_n3A_205 = arith.select %and3A_202, %sub3A_204, %div3A_183 : i32
    %jit3A_206 = arith.constant 32 : i32
    %eq3A = arith.constant 0 : i32
    %eq3A_207 = arith.cmpi eq, %jit3A_206, %eq3A : i32
    %jit3A_208 = arith.constant 1 : i32
    %select_n3A_209 = arith.select %eq3A_207, %jit3A_208, %jit3A_206 : i32
    %rem3A_210 = arith.remsi %add3A_181, %select_n3A_209 : i32
    %ne3A_211 = arith.constant 0 : i32
    %ne3A_212 = arith.cmpi ne, %rem3A_210, %ne3A_211 : i32
    %lt3A = arith.constant 0 : i32
    %lt3A_213 = arith.cmpi slt, %rem3A_210, %lt3A : i32
    %lt3A_214 = arith.constant 0 : i32
    %lt3A_215 = arith.cmpi slt, %select_n3A_209, %lt3A_214 : i32
    %ne3A_216 = arith.xori %lt3A_213, %lt3A_215 : i1
    %and3A_217 = arith.andi %ne3A_216, %ne3A_212 : i1
    %add3A_218 = arith.addi %rem3A_210, %select_n3A_209 : i32
    %select_n3A_219 = arith.select %and3A_217, %add3A_218, %rem3A_210 : i32
    %dma_wait3A = arith.constant 0 : i32
    %dma_wait3A_220 = arith.constant 0 : i32
    %dma_wait3A_221 = arith.constant 0 : i32
    %dma_wait3A_222 = tpu.memref_slice %arg10[%dma_wait3A, %dma_wait3A_220, %dma_wait3A_221] : memref<8x8x129xf32, #tpu.memory_space<vmem>> -> memref<8x8x128xf32, #tpu.memory_space<vmem>>
    %dma_wait3A_223 = arith.constant 0 : i32
    %dma_wait3A_224 = arith.constant 0 : i32
    %dma_wait3A_225 = arith.constant 0 : i32
    %dma_wait3A_226 = tpu.memref_slice %arg4[%select_n3A_205, %dma_wait3A_223, %select_n3A_219, %dma_wait3A_224, %dma_wait3A_225] : memref<200x8x32x8x128xf32, #tpu.memory_space<hbm>> -> memref<1x8x1x8x128xf32, #tpu.memory_space<hbm>>
    %dma_wait3A_227 = tpu.memref_squeeze %dma_wait3A_226 : memref<1x8x1x8x128xf32, #tpu.memory_space<hbm>> -> memref<8x8x128xf32, #tpu.memory_space<hbm>>
    %dma_wait3A_228 = arith.constant 0 : i32
    %dma_wait3A_229 = arith.constant 0 : i32
    %dma_wait3A_230 = arith.constant 0 : i32
    %dma_wait3A_231 = tpu.memref_slice %arg4[%select_n3A_205, %dma_wait3A_228, %select_n3A_219, %dma_wait3A_229, %dma_wait3A_230] : memref<200x8x32x8x128xf32, #tpu.memory_space<hbm>> -> memref<1x8x1x8x128xf32, #tpu.memory_space<hbm>>
    %dma_wait3A_232 = tpu.memref_squeeze %dma_wait3A_231 : memref<1x8x1x8x128xf32, #tpu.memory_space<hbm>> -> memref<8x8x128xf32, #tpu.memory_space<hbm>>
    %dma_wait3A_233 = arith.constant 0 : i32
    %dma_wait3A_234 = arith.constant 0 : i32
    %dma_wait3A_235 = arith.constant 0 : i32
    %dma_wait3A_236 = tpu.memref_slice %arg10[%dma_wait3A_233, %dma_wait3A_234, %dma_wait3A_235] : memref<8x8x129xf32, #tpu.memory_space<vmem>> -> memref<8x8x128xf32, #tpu.memory_space<vmem>>
    tpu.wait_dma2 semaphore(%arg16 : memref<!tpu.dma_semaphore, #tpu.memory_space<semaphore_mem>>) src(%dma_wait3A_236 : memref<8x8x128xf32, #tpu.memory_space<vmem>>) dst(%dma_wait3A_232 : memref<8x8x128xf32, #tpu.memory_space<hbm>>)
    %mul3A_237 = arith.constant 200 : i32
    %mul3A_238 = arith.muli %add3A, %mul3A_237 : i32
    %add3A_239 = arith.constant 199 : i32
    %add3A_240 = arith.addi %mul3A_238, %add3A_239 : i32
    %jit3A_241 = arith.constant 32 : i32
    %div3A_242 = arith.divsi %add3A_240, %jit3A_241 : i32
    %sign3A_243 = arith.constant 0 : i32
    %sign3A_244 = arith.cmpi sgt, %add3A_240, %sign3A_243 : i32
    %sign3A_245 = arith.extui %sign3A_244 : i1 to i32
    %sign3A_246 = arith.constant 0 : i32
    %sign3A_247 = arith.cmpi slt, %add3A_240, %sign3A_246 : i32
    %sign3A_248 = arith.extui %sign3A_247 : i1 to i32
    %sign3A_249 = arith.subi %sign3A_245, %sign3A_248 : i32
    %sign3A_250 = arith.constant 0 : i32
    %sign3A_251 = arith.cmpi sgt, %jit3A_241, %sign3A_250 : i32
    %sign3A_252 = arith.extui %sign3A_251 : i1 to i32
    %sign3A_253 = arith.constant 0 : i32
    %sign3A_254 = arith.cmpi slt, %jit3A_241, %sign3A_253 : i32
    %sign3A_255 = arith.extui %sign3A_254 : i1 to i32
    %sign3A_256 = arith.subi %sign3A_252, %sign3A_255 : i32
    %ne3A_257 = arith.cmpi ne, %sign3A_249, %sign3A_256 : i32
    %rem3A_258 = arith.remsi %add3A_240, %jit3A_241 : i32
    %ne3A_259 = arith.constant 0 : i32
    %ne3A_260 = arith.cmpi ne, %rem3A_258, %ne3A_259 : i32
    %and3A_261 = arith.andi %ne3A_257, %ne3A_260 : i1
    %sub3A_262 = arith.constant 1 : i32
    %sub3A_263 = arith.subi %div3A_242, %sub3A_262 : i32
    %select_n3A_264 = arith.select %and3A_261, %sub3A_263, %div3A_242 : i32
    %jit3A_265 = arith.constant 32 : i32
    %eq3A_266 = arith.constant 0 : i32
    %eq3A_267 = arith.cmpi eq, %jit3A_265, %eq3A_266 : i32
    %jit3A_268 = arith.constant 1 : i32
    %select_n3A_269 = arith.select %eq3A_267, %jit3A_268, %jit3A_265 : i32
    %rem3A_270 = arith.remsi %add3A_240, %select_n3A_269 : i32
    %ne3A_271 = arith.constant 0 : i32
    %ne3A_272 = arith.cmpi ne, %rem3A_270, %ne3A_271 : i32
    %lt3A_273 = arith.constant 0 : i32
    %lt3A_274 = arith.cmpi slt, %rem3A_270, %lt3A_273 : i32
    %lt3A_275 = arith.constant 0 : i32
    %lt3A_276 = arith.cmpi slt, %select_n3A_269, %lt3A_275 : i32
    %ne3A_277 = arith.xori %lt3A_274, %lt3A_276 : i1
    %and3A_278 = arith.andi %ne3A_277, %ne3A_272 : i1
    %add3A_279 = arith.addi %rem3A_270, %select_n3A_269 : i32
    %select_n3A_280 = arith.select %and3A_278, %add3A_279, %rem3A_270 : i32
    %dma_wait3A_281 = arith.constant 0 : i32
    %dma_wait3A_282 = arith.constant 0 : i32
    %dma_wait3A_283 = arith.constant 0 : i32
    %dma_wait3A_284 = tpu.memref_slice %arg11[%dma_wait3A_281, %dma_wait3A_282, %dma_wait3A_283] : memref<8x8x129xf32, #tpu.memory_space<vmem>> -> memref<8x8x128xf32, #tpu.memory_space<vmem>>
    %dma_wait3A_285 = arith.constant 0 : i32
    %dma_wait3A_286 = arith.constant 0 : i32
    %dma_wait3A_287 = arith.constant 0 : i32
    %dma_wait3A_288 = tpu.memref_slice %arg4[%select_n3A_264, %dma_wait3A_285, %select_n3A_280, %dma_wait3A_286, %dma_wait3A_287] : memref<200x8x32x8x128xf32, #tpu.memory_space<hbm>> -> memref<1x8x1x8x128xf32, #tpu.memory_space<hbm>>
    %dma_wait3A_289 = tpu.memref_squeeze %dma_wait3A_288 : memref<1x8x1x8x128xf32, #tpu.memory_space<hbm>> -> memref<8x8x128xf32, #tpu.memory_space<hbm>>
    %dma_wait3A_290 = arith.constant 0 : i32
    %dma_wait3A_291 = arith.constant 0 : i32
    %dma_wait3A_292 = arith.constant 0 : i32
    %dma_wait3A_293 = tpu.memref_slice %arg4[%select_n3A_264, %dma_wait3A_290, %select_n3A_280, %dma_wait3A_291, %dma_wait3A_292] : memref<200x8x32x8x128xf32, #tpu.memory_space<hbm>> -> memref<1x8x1x8x128xf32, #tpu.memory_space<hbm>>
    %dma_wait3A_294 = tpu.memref_squeeze %dma_wait3A_293 : memref<1x8x1x8x128xf32, #tpu.memory_space<hbm>> -> memref<8x8x128xf32, #tpu.memory_space<hbm>>
    %dma_wait3A_295 = arith.constant 0 : i32
    %dma_wait3A_296 = arith.constant 0 : i32
    %dma_wait3A_297 = arith.constant 0 : i32
    %dma_wait3A_298 = tpu.memref_slice %arg11[%dma_wait3A_295, %dma_wait3A_296, %dma_wait3A_297] : memref<8x8x129xf32, #tpu.memory_space<vmem>> -> memref<8x8x128xf32, #tpu.memory_space<vmem>>
    tpu.wait_dma2 semaphore(%arg17 : memref<!tpu.dma_semaphore, #tpu.memory_space<semaphore_mem>>) src(%dma_wait3A_298 : memref<8x8x128xf32, #tpu.memory_space<vmem>>) dst(%dma_wait3A_294 : memref<8x8x128xf32, #tpu.memory_space<hbm>>)
    return
  }
}

</mosaic_0001>

<sc_bundles>
// kernel: kernel.3.cloned.1.call-start
scs
__scs_entry_jumppad:
0x0: {  	(pc) =	sbr.rel $0x88, $3  }
0x1: {  	(tag) =	ssettag $0x0;
	lr =	simm.s32 $0x1  }
0x2: {  	[smem:$0x3F9F] =	sst lr;
	_ =	strace $0xD0000000  }
0x3: {  	_ = 	snop  }
0x4: {  	_ = 	snop  }
0x5: {  	_ = 	snop  }
0x6: {  	_ = 	snop  }
0x7: {  	_ = 	snop  }
__scs_overlays_trampoline_lowered:
0x8: {  	[smem:$0x3FAE] =	sst s0  }
0x9: {  	[smem:$0x3FAF] =	sst s1  }
0xa: {  	[smem:$0x3FB0] =	sst s2  }
0xb: {  	[smem:$0x3FB1] =	sst s3  }
0xc: {  	[smem:$0x3FB2] =	sst s4  }
0xd: {  	[smem:$0x3FB3] =	sst s5  }
0xe: {  	[smem:$0x3FB4] =	sst s6  }
0xf: {  	[smem:$0x3FB5] =	sst s7  }
0x10: {  	[smem:$0x3FB6] =	sst s8  }
0x11: {  	[smem:$0x3FB7] =	sst s9;
	s0 =	simm.s32 @!p0 $0x0  }
0x12: {  	s1 =	sld [smem:$0x3F9D];
	s0 =	simm.s32 @p0 $0x1  }
0x13: {  	[smem:$0x3FB8] =	sst s0;
	s0 =	simm.s32 @!p1 $0x0  }
0x14: {  	s2 =	sld [smem:$0x3F9C];
	s0 =	simm.s32 @p1 $0x1  }
0x15: {  	[smem:$0x3FB9] =	sst s0;
	s0 =	simm.s32 @!p2 $0x0  }
0x16: {  	s3 =	sld [smem:$0x3FDB];
	s0 =	simm.s32 @p2 $0x1  }
0x17: {  	s4 =	simm.s32 $0x1BF5;
	[smem:$0x3FBB] =	sst s0  }
0x18: {  	s0 =	sld [smem:$0x3F9E];
	_ =	swait.ge [sflag:s4], $0x0  }
0x19: {  	s7 =	sld [smem:$0x3F9F]  }
0x1a: {  	s8 =	sadd.s32 $0xFFFFE003, lr  }
0x1b: {  	s9 =	sadd.s32 $0xFFFFFEF7, lr;
	s5 =	simm.s32 $0xFFFFFFFF;
	p2 =	slt.u32 s8, $0xFFFFF086  }
0x1c: {  	p1 =	slt.u32 s9, $0xF7A;
	s5 =	simm.s32 @!p2 $0x0  }
0x1d: {  	s5 =	simm.s32 @p1 $0x1;
	p0 =	seq.s32 s7, s2  }
0x1e: {  	s7 =	smul.u32 @!p0 $0xF7A, s2;
	p2 =	seq.s32 @!p0 s5, $0x0  }
0x1f: {  	s9 =	smul.u32 $0xF7A, s1;
	s8 =	simm.s32 @!p0 $0x1BF5;
	p2 =	por !p2, p0  }
0x20: {  	[sflag:s8] =	ssyncset.s32 @!p0 $0xFFFFF086;
	s6 =	sadd.s32 @!p0 s3, s7;
	s7 =	simm.s32 @!p0 $0x108  }
0x21: {  	s3 =	sadd.s32 s3, s9;
	s6 =	sadd.s32 @!p0 $0x88, s6;
	s7 =	simm.s32 @p2 $0x1082  }
0x22: {  	[simem:s7], [sflag:s8] =	dma.local @!p0 [hbm:s6], $0xF7A  }
0x23: {  	s9 =	sor.u32 $0xD0000000, s2;
	s6 =	simm.s32 $0x108;
	_ =	swait.ge @!p0 [sflag:s8], $0x0  }
0x24: {  	s3 =	sadd.s32 $0x88, s3;
	s6 =	simm.s32 @!p1 $0x1082;
	[sflag:s4] =	ssyncset.s32 $0xFFFFF086  }
0x25: {  	[simem:s6], [sflag:s4] =	dma.local [hbm:s3], $0xF7A  }
0x26: {  	[smem:$0x3F9F] =	sst s1;
	(tag) =	ssettag s2;
	_ =	strace s9  }
0x27: {  	s1 =	sld [smem:$0x3FAF]  }
0x28: {  	s2 =	sld [smem:$0x3FB0]  }
0x29: {  	s4 =	sld [smem:$0x3FB2]  }
0x2a: {  	p0 =	seq.s32 s5, $0x0;
	s5 =	sld [smem:$0x3FB3]  }
0x2b: {  	s6 =	sld [smem:$0x3FB4]  }
0x2c: {  	s7 =	sld [smem:$0x3FB5]  }
0x2d: {  	s3 =	simm.s32 $0x108;
	s8 =	sld [smem:$0x3FB6]  }
0x2e: {  	s3 =	simm.s32 @!p0 $0x1082;
	s9 =	sld [smem:$0x3FB7]  }
0x2f: {  	lr =	sadd.s32 s0, s3;
	s0 =	sld [smem:$0x3FAE]  }
0x30: {  	s3 =	sld [smem:$0x3FB1]  }
0x31: {  	[smem:$0x3FBA] =	sst s10  }
0x32: {  	s10 =	sld [smem:$0x3FB8];
	_ =	sdelay $0x3  }
0x33: {  	p0 =	seq.s32 s10, $0x1;
	s10 =	sld [smem:$0x3FBA];
	_ =	sdelay $0x3  }
0x34: {  	[smem:$0x3FBA] =	sst s10  }
0x35: {  	s10 =	sld [smem:$0x3FB9];
	_ =	sdelay $0x3  }
0x36: {  	p1 =	seq.s32 s10, $0x1;
	s10 =	sld [smem:$0x3FBA];
	_ =	sdelay $0x3  }
0x37: {  	[smem:$0x3FBA] =	sst s10  }
0x38: {  	s10 =	sld [smem:$0x3FBB]  }
0x39: {  	_ = 	snop;
	(pc) =	sbr.ind lr, $3  }
0x3a: {  	_ = 	snop  }
0x3b: {  	_ = 	snop  }
0x3c: {  	p2 =	seq.s32 s10, $0x1;
	s10 =	sld [smem:$0x3FBA]  }
0x3d: {  	_ =	shalt  }
0x3e: {  	_ =	shalt  }
0x3f: {  	_ =	shalt  }
0x40: {  	_ =	shalt  }
0x41: {  	_ =	shalt  }
0x42: {  	_ =	shalt  }
0x43: {  	_ =	shalt  }
0x44: {  	_ =	shalt  }
0x45: {  	_ =	shalt  }
0x46: {  	_ =	shalt  }
0x47: {  	_ =	shalt  }
0x48: {  	_ =	shalt  }
0x49: {  	_ =	shalt  }
0x4a: {  	_ =	shalt  }
0x4b: {  	_ =	shalt  }
0x4c: {  	_ =	shalt  }
0x4d: {  	_ =	shalt  }
0x4e: {  	_ =	shalt  }
0x4f: {  	_ =	shalt  }
0x50: {  	_ =	shalt  }
0x51: {  	_ =	shalt  }
0x52: {  	_ =	shalt  }
0x53: {  	_ =	shalt  }
0x54: {  	_ =	shalt  }
0x55: {  	_ =	shalt  }
0x56: {  	_ =	shalt  }
0x57: {  	_ =	shalt  }
0x58: {  	_ =	shalt  }
0x59: {  	_ =	shalt  }
0x5a: {  	_ =	shalt  }
0x5b: {  	_ =	shalt  }
0x5c: {  	_ =	shalt  }
0x5d: {  	_ =	shalt  }
0x5e: {  	_ =	shalt  }
0x5f: {  	_ =	shalt  }
0x60: {  	_ =	shalt  }
0x61: {  	_ =	shalt  }
0x62: {  	_ =	shalt  }
0x63: {  	_ =	shalt  }
0x64: {  	_ =	shalt  }
0x65: {  	_ =	shalt  }
0x66: {  	_ =	shalt  }
0x67: {  	_ =	shalt  }
0x68: {  	_ =	shalt  }
0x69: {  	_ =	shalt  }
0x6a: {  	_ =	shalt  }
0x6b: {  	_ =	shalt  }
0x6c: {  	_ =	shalt  }
0x6d: {  	_ =	shalt  }
0x6e: {  	_ =	shalt  }
0x6f: {  	_ =	shalt  }
0x70: {  	_ =	shalt  }
0x71: {  	_ =	shalt  }
0x72: {  	_ =	shalt  }
0x73: {  	_ =	shalt  }
0x74: {  	_ =	shalt  }
0x75: {  	_ =	shalt  }
0x76: {  	_ =	shalt  }
0x77: {  	_ =	shalt  }
0x78: {  	_ =	shalt  }
0x79: {  	_ =	shalt  }
0x7a: {  	_ =	shalt  }
0x7b: {  	_ =	shalt  }
0x7c: {  	_ =	shalt  }
0x7d: {  	_ =	shalt  }
0x7e: {  	_ =	shalt  }
0x7f: {  	_ =	shalt  }
0x80: {  	_ =	shalt  }
0x81: {  	_ =	shalt  }
0x82: {  	_ =	shalt  }
0x83: {  	_ =	shalt  }
0x84: {  	_ =	shalt  }
0x85: {  	_ =	shalt  }
0x86: {  	_ =	shalt  }
0x87: {  	_ =	shalt  }
.Lfunc_end0:
.L_simem_size_0:
called_computation_lowered:
.L_overlay_start_0:
0x88: {  	s2 =	sld [smem:$0x3FD9]  }
0x89: {  	s3 =	sld [smem:$0x3FFE];
	_ =	sdelay $0x1  }
0x8a: {  	s1 =	srdreg.scid  }
0x8b: {  	s0 =	sand.u32 $0x1, s1  }
0x8c: {  	s17 =	sshll.u32 s0, $0xA;
	s2 =	sadd.s32 s3, s2  }
0x8d: {  	s2 =	sadd.s32 s2, s17  }
0x8e: {  	[smem:$0x3FC6] =	sst s2  }
0x8f: {  	_ = 	snop  }
0x90: {  	s2 =	sld [smem:$0x3FD0];
	(tm) =	ssettm $0x1  }
0x91: {  	s18 =	sld [smem:$0x3FFB];
	_ =	sdelay $0x3  }
0x92: {  	_ =	strace s18  }
0x93: {  	s3 =	sld [smem:$0x3FFC];
	_ =	sdelay $0x3  }
0x94: {  	_ =	strace s3  }
0x95: {  	s3 =	sld [smem:$0x3FFD];
	_ =	sdelay $0x3  }
0x96: {  	_ =	strace s3  }
0x97: {  	_ =	strace $0x8FFFFFFF  }
0x98: {  	s19 =	sld [smem:$0x3FDB];
	_ =	sdelay $0x1  }
0x99: {  	s4 =	simm.s32 $_scs_section_size  }
0x9a: {  	s5 =	simm.s32 $_size__tile_overlayer_lowered;
	s6 =	simm.s32 $_tile_overlayer_lowered  }
0x9b: {  	s22 =	simm.s32 $0x1BFF;
	s21 =	sshll.u32 s6, $0x1;
	s3 =	sadd.s32 s4, s19  }
0x9c: {  	s7 =	simm.s32 $0x0;
	s20 =	sshll.u32 s5, $0x1;
	s5 =	sadd.s32 s21, s3  }
0x9d: {  	[timem:s7], [sflag:s22] =	dma.local [hbm:s5], s20  }
0x9e: {  	_ =	swait.ge [sflag:s22], s20  }
0x9f: {  	s4 =	ssub.s32 $0x0, s20;
	[sflag:s22] =	ssyncset.done $0x0  }
0xa0: {  	[sflag:s22] =	ssyncadd.s32 s4;
	_ =	sdelay $0x1  }
0xa1: {  	s23 =	simm.s32 $0x1B8B  }
0xa2: {  	_ =	swait.ge [sflag:s23], $0x1  }
0xa3: {  	[sflag:s23] =	ssyncset.done $0x0  }
0xa4: {  	s25 =	simm.s32 $0x1B8E;
	s24 =	sld [smem:$0x3FFE];
	[sflag:s23] =	ssyncadd.s32 $0xFFFFFFFF  }
0xa5: {  	s26 =	simm.s32 $execute0_lowered;
	[smem:$0x3FD2] =	sst s25  }
0xa6: {  	s5 =	sshll.u32 s26, $0x1;
	_ =	strace $0x80000046;
	[dreg:$0x1] =	wrdreg $0xFFFFFFFF  }
0xa7: {  	s28 =	simm.s32 $_size_execute0_lowered;
	s3 =	sadd.s32 s3, s5;
	[dreg:$0x0] =	wrdreg $0x0  }
0xa8: {  	s5 =	sshll.u32 s28, $0x1;
	[dreg:$0x2] =	wrdreg s3  }
0xa9: {  	[dreg:$0x3] =	wrdreg s5  }
0xaa: {  	[dreg:$0x4] =	wrdreg $0xC0  }
0xab: {  	_ =	task [dreg:s7], $0x5FFFF  }
0xac: {  	[dreg:$0x1] =	wrdreg $0xFFFFFFFF  }
0xad: {  	[dreg:$0x0] =	wrdreg $0x60  }
0xae: {  	[dreg:$0x2] =	wrdreg s24  }
0xaf: {  	[dreg:$0x3] =	wrdreg s2  }
0xb0: {  	[dreg:$0x4] =	wrdreg $0x9  }
0xb1: {  	_ =	task.clear_ibuf [dreg:s7], $0x5FFFF;
	_ =	strace $0x90000046  }
0xb2: {  	s29 =	simm.s32 $0x9;
	_ =	strace $0x80000048  }
0xb3: {  	_ =	swait.ge [sflag:s29], $0x1  }
0xb4: {  	[sflag:s29] =	ssyncadd.s32 $0xFFFFFFFF  }
0xb5: {  	_ =	strace $0x90000048  }
0xb6: {  	_ =	sfence  }
0xb7: {  	s30 =	sld [smem:$0x0];
	_ =	sdelay $0x2  }
0xb8: {  	s31 =	sshll.u32 s1, $0xD;
	s1 =	sshrl.u32 s1, $0x2  }
0xb9: {  	s3 =	sand.u32 $0x4000, s31;
	s1 =	sadd.s32 s1, s30  }
0xba: {  	s0 =	sor.u32 s3, s0;
	s1 =	sshll.u32 s1, $0x11  }
0xbb: {  	s0 =	sor.u32 s1, s0  }
0xbc: {  	s0 =	sadd.s32 $0x8F2B, s0  }
0xbd: {  	[sflag:s0] =	ssyncadd.remote.s32 $0x1  }
0xbe: {  	_ =	sfence.sel $0xFFFF  }
0xbf: {  	[dreg:$0x0] =	wrdreg $0xFFFFFFFF;
	(pc) =	sbr.abs _section_cstart, $3  }
0xc0: {  	[dreg:$0x1] =	wrdreg $0xFFFFFFFF  }
0xc1: {  	_ =	task.clear_ibuf [dreg:s7], $0x2FFFF;
	_ =	strace $0x9FFFFFFF  }
0xc2: {  	(tm) =	ssettm $0x7FFFFFFF  }
0xc3: {  	_ =	shalt  }
tec
execute0_lowered:
.L_overlay_start_1:
0x0: {  	(tag) =	ssettag $0x1  }
0x1: {  	s0 =	rddreg [dreg:$0x0];
	s1 =	srdreg.scid  }
0x2: {  	s3 =	stileid.u32;
	s2 =	rddreg [dreg:$0x1];
	s8 =	simm.s32 $0x7  }
0x3: {  	s9 =	simm.s32 $0x80;
	s11 =	simm.s32 $0x8400;
	s12 =	simm.s32 $0x100  }
0x4: {  	s13 =	simm.s32 $0xA400;
	s14 =	simm.s32 $0x180;
	s15 =	simm.s32 $0xC400  }
0x5: {  	s16 =	simm.s32 $0x1;
	s17 =	simm.s32 $0xE400;
	s18 =	simm.s32 $0x2  }
0x6: {  	s19 =	simm.s32 $0x10600;
	s20 =	simm.s32 $0x3;
	s21 =	simm.s32 $0x5  }
0x7: {  	s22 =	simm.s32 $0x4;
	s1 =	sand.u32 $0x1, s1;
	s4 =	sshll.u32 s3, $0x1  }
0x8: {  	s23 =	simm.s32 $0x6;
	s3 =	simm.s32 $0x0;
	s6 =	sor.u32 s1, s4  }
0x9: {  	v0 =	vlaneseq.u32;
	[smem:$0x7FF] =	sst s3;
	s1 =	ssub.s32 $0x2, s1;
	s4 =	smul.u32 $0xC80, s6  }
0xa: {  	s24 =	simm.s32 $0x0;
	v0 =	vmul.u32 $0x88, v0;
	_ =	strace $0x80000047;
	s31 =	sshrl.u32 s1, $0x1  }
0xb: {  	s5 =	sadd.s32 s4, s0;
	s4 =	sadd.s32 $0xF42A00, s0;
	s0 =	ssub.s32 s1, s31  }
0xc: {  	s6 =	smul.u32 $0xC8, s6;
	v1 =	vadd.s32 $0x880, v0;
	v2 =	vadd.s32 $0x1100, v0;
	v3 =	vadd.s32 $0x1980, v0;
	s5 =	sadd.s32 $0x600, s5;
	s7 =	smax.u32 s0, $0x1  }
.LBB2_1:
0xd: {  	[tilespmem:s3], [sflag:$0x7] =	stream.linear.gather [hbm4b:s5+s3], $0x6400, $0x38;
	[tilespmem:$0x12800] =	vst v63  }
0xe: {  	_ =	swait.ge [sflag:s8], $0x6400  }
0xf: {  	[sflag:s8] =	ssyncset.done $0x0  }
0x10: {  	s0 =	simm.s32 $0x6400;
	[sflag:s8] =	ssyncadd.s32 $0xFFFF9C00  }
0x11: {  	[tilespmem:s0], [sflag:$0x1] =	stream.indirect.gather [hbm4b:s4+s9], $0x40, s3, s9, $0xb8;
	[tilespmem:$0x12800] =	vst v63  }
0x12: {  	_ = 	snop  }
0x13: {  	[tilespmem:s11], [sflag:$0x2] =	stream.indirect.gather [hbm4b:s4+s9], $0x40, s9, s9, $0xb8;
	[tilespmem:$0x12800] =	vst v63  }
0x14: {  	_ = 	snop  }
0x15: {  	[tilespmem:s13], [sflag:$0x3] =	stream.indirect.gather [hbm4b:s4+s9], $0x40, s12, s9, $0xb8;
	[tilespmem:$0x12800] =	vst v63  }
0x16: {  	s25 =	simm.s32 $0x0  }
0x17: {  	[tilespmem:s15], [sflag:$0x4] =	stream.indirect.gather [hbm4b:s4+s9], $0x40, s14, s9, $0xb8;
	[tilespmem:$0x12800] =	vst v63  }
.LBB2_2:
0x18: {  	_ =	swait.ge [sflag:s16], $0x2000  }
0x19: {  	p1 =	seq.s32 s25, $0x0;
	[sflag:s16] =	ssyncset.done $0x0  }
0x1a: {  	s0 =	simm.s32 @!p1 $0x5;
	[sflag:s16] =	ssyncadd.s32 $0xFFFFE000  }
0x1b: {  	s1 =	simm.s32 $0x0;
	_ =	swait.ge @!p1 [sflag:s0], $0x2000  }
0x1c: {  	v4 =	vmov s1;
	[sflag:s0] =	ssyncset.done @!p1 $0x0  }
0x1d: {  	s28 =	simm.s32 $0x6480;
	v4 =	vand.u32 $0x7C, v4;
	[sflag:s0] =	ssyncadd.s32 @!p1 $0xFFFFE000  }
0x1e: {  	v6 =	vadd.s32 v0, v4;
	v5 =	vld [tilespmem:s28+$0xFFFFFF80];
	_ =	sdelay $0x4  }
0x1f: {  	[tilespmem:v6+s17+$0x0] =	vst.idx.msk $0xffff, v5  }
0x20: {  	v6 =	vadd.s32 v1, v4;
	v5 =	vld [tilespmem:s28+$0xFFFFFF90];
	_ =	sdelay $0x4  }
0x21: {  	[tilespmem:v6+s17+$0x0] =	vst.idx.msk $0xffff, v5  }
0x22: {  	v6 =	vadd.s32 v2, v4;
	v5 =	vld [tilespmem:s28+$0xFFFFFFA0];
	_ =	sdelay $0x4  }
0x23: {  	[tilespmem:v6+s17+$0x0] =	vst.idx.msk $0xffff, v5  }
0x24: {  	v4 =	vadd.s32 v3, v4;
	v5 =	vld [tilespmem:s28+$0xFFFFFFB0];
	_ =	sdelay $0x2  }
0x25: {  	s10 =	simm.s32 $0x1  }
0x26: {  	v6 =	vmov s10  }
0x27: {  	[tilespmem:v4+s17+$0x0] =	vst.idx.msk $0xffff, v5;
	v4 =	vand.u32 $0x7D, v6  }
0x28: {  	v5 =	vld [tilespmem:s28+$0xFFFFFFC0];
	v6 =	vadd.s32 v0, v4;
	_ =	sdelay $0x4  }
0x29: {  	[tilespmem:v6+s17+$0x0] =	vst.idx.msk $0xffff, v5  }
0x2a: {  	v6 =	vadd.s32 v1, v4;
	v5 =	vld [tilespmem:s28+$0xFFFFFFD0];
	_ =	sdelay $0x4  }
0x2b: {  	[tilespmem:v6+s17+$0x0] =	vst.idx.msk $0xffff, v5  }
0x2c: {  	v6 =	vadd.s32 v2, v4;
	v5 =	vld [tilespmem:s28+$0xFFFFFFE0];
	_ =	sdelay $0x4  }
0x2d: {  	[tilespmem:v6+s17+$0x0] =	vst.idx.msk $0xffff, v5  }
0x2e: {  	v4 =	vadd.s32 v3, v4;
	v5 =	vld [tilespmem:s28+$0xFFFFFFF0];
	_ =	sdelay $0x2  }
0x2f: {  	s26 =	simm.s32 $0x2  }
0x30: {  	v6 =	vmov s26  }
0x31: {  	[tilespmem:v4+s17+$0x0] =	vst.idx.msk $0xffff, v5;
	v4 =	vand.u32 $0x7E, v6  }
0x32: {  	v5 =	vld [tilespmem:s28+$0x0];
	v6 =	vadd.s32 v0, v4;
	_ =	sdelay $0x4  }
0x33: {  	[tilespmem:v6+s17+$0x0] =	vst.idx.msk $0xffff, v5  }
0x34: {  	v6 =	vadd.s32 v1, v4;
	v5 =	vld [tilespmem:s28+$0x10];
	_ =	sdelay $0x4  }
0x35: {  	[tilespmem:v6+s17+$0x0] =	vst.idx.msk $0xffff, v5  }
0x36: {  	v6 =	vadd.s32 v2, v4;
	v5 =	vld [tilespmem:s28+$0x20];
	_ =	sdelay $0x4  }
0x37: {  	[tilespmem:v6+s17+$0x0] =	vst.idx.msk $0xffff, v5  }
0x38: {  	v4 =	vadd.s32 v3, v4;
	v5 =	vld [tilespmem:s28+$0x30];
	_ =	sdelay $0x2  }
0x39: {  	s31 =	simm.s32 $0x3  }
0x3a: {  	v6 =	vmov s31  }
0x3b: {  	[tilespmem:v4+s17+$0x0] =	vst.idx.msk $0xffff, v5;
	v5 =	vand.u32 $0x7F, v6  }
0x3c: {  	v4 =	vld [tilespmem:s28+$0x40];
	v6 =	vadd.s32 v0, v5;
	_ =	sdelay $0x4  }
0x3d: {  	[tilespmem:v6+s17+$0x0] =	vst.idx.msk $0xffff, v4  }
0x3e: {  	v6 =	vadd.s32 v1, v5;
	v4 =	vld [tilespmem:s28+$0x50];
	_ =	sdelay $0x4  }
0x3f: {  	[tilespmem:v6+s17+$0x0] =	vst.idx.msk $0xffff, v4  }
0x40: {  	v6 =	vadd.s32 v2, v5;
	v4 =	vld [tilespmem:s28+$0x60];
	_ =	sdelay $0x4  }
0x41: {  	[tilespmem:v6+s17+$0x0] =	vst.idx.msk $0xffff, v4  }
0x42: {  	v5 =	vadd.s32 v3, v5;
	v4 =	vld [tilespmem:s28+$0x70];
	_ =	sdelay $0x2  }
0x43: {  	s29 =	simm.s32 $0x4  }
0x44: {  	s30 =	simm.s32 $0x8;
	s26 =	sshll.u32 s25, $0x2;
	v6 =	vmov s29  }
.LBB2_3:
0x45: {  	p0 =	sne.s32 s30, $0x7C;
	v6 =	vand.u32 $0x7C, v6;
	[tilespmem:v5+s17+$0x0] =	vst.idx.msk $0xffff, v4;
	s28 =	sadd.s32 $0x100, s28  }
0x46: {  	v4 =	vld [tilespmem:s28+$0xFFFFFF80];
	v5 =	vadd.s32 v0, v6;
	_ =	sdelay $0x4  }
0x47: {  	[tilespmem:v5+s17+$0x0] =	vst.idx.msk $0xffff, v4  }
0x48: {  	v5 =	vadd.s32 v1, v6;
	v4 =	vld [tilespmem:s28+$0xFFFFFF90];
	_ =	sdelay $0x4  }
0x49: {  	[tilespmem:v5+s17+$0x0] =	vst.idx.msk $0xffff, v4  }
0x4a: {  	v5 =	vadd.s32 v2, v6;
	v4 =	vld [tilespmem:s28+$0xFFFFFFA0];
	_ =	sdelay $0x4  }
0x4b: {  	[tilespmem:v5+s17+$0x0] =	vst.idx.msk $0xffff, v4  }
0x4c: {  	v5 =	vadd.s32 v3, v6;
	v4 =	vld [tilespmem:s28+$0xFFFFFFB0];
	_ =	sdelay $0x2  }
0x4d: {  	s0 =	sadd.s32 $0x1, s29  }
0x4e: {  	v6 =	vmov s0  }
0x4f: {  	[tilespmem:v5+s17+$0x0] =	vst.idx.msk $0xffff, v4;
	v4 =	vand.u32 $0x7D, v6  }
0x50: {  	v5 =	vld [tilespmem:s28+$0xFFFFFFC0];
	v6 =	vadd.s32 v0, v4;
	_ =	sdelay $0x4  }
0x51: {  	[tilespmem:v6+s17+$0x0] =	vst.idx.msk $0xffff, v5  }
0x52: {  	v6 =	vadd.s32 v1, v4;
	v5 =	vld [tilespmem:s28+$0xFFFFFFD0];
	_ =	sdelay $0x4  }
0x53: {  	[tilespmem:v6+s17+$0x0] =	vst.idx.msk $0xffff, v5  }
0x54: {  	v6 =	vadd.s32 v2, v4;
	v5 =	vld [tilespmem:s28+$0xFFFFFFE0];
	_ =	sdelay $0x4  }
0x55: {  	[tilespmem:v6+s17+$0x0] =	vst.idx.msk $0xffff, v5  }
0x56: {  	v4 =	vadd.s32 v3, v4;
	v5 =	vld [tilespmem:s28+$0xFFFFFFF0];
	_ =	sdelay $0x2  }
0x57: {  	s0 =	sadd.s32 $0x2, s29  }
0x58: {  	v6 =	vmov s0  }
0x59: {  	[tilespmem:v4+s17+$0x0] =	vst.idx.msk $0xffff, v5;
	v4 =	vand.u32 $0x7E, v6  }
0x5a: {  	v5 =	vld [tilespmem:s28+$0x0];
	v6 =	vadd.s32 v0, v4;
	_ =	sdelay $0x4  }
0x5b: {  	[tilespmem:v6+s17+$0x0] =	vst.idx.msk $0xffff, v5  }
0x5c: {  	v6 =	vadd.s32 v1, v4;
	v5 =	vld [tilespmem:s28+$0x10];
	_ =	sdelay $0x4  }
0x5d: {  	[tilespmem:v6+s17+$0x0] =	vst.idx.msk $0xffff, v5  }
0x5e: {  	v6 =	vadd.s32 v2, v4;
	v5 =	vld [tilespmem:s28+$0x20];
	_ =	sdelay $0x4  }
0x5f: {  	[tilespmem:v6+s17+$0x0] =	vst.idx.msk $0xffff, v5  }
0x60: {  	v4 =	vadd.s32 v3, v4;
	v5 =	vld [tilespmem:s28+$0x30];
	_ =	sdelay $0x2  }
0x61: {  	s0 =	sadd.s32 $0x3, s29;
	s29 =	smov.u32 s30  }
0x62: {  	v6 =	vmov s0  }
0x63: {  	[tilespmem:v4+s17+$0x0] =	vst.idx.msk $0xffff, v5;
	v5 =	vand.u32 $0x7F, v6  }
0x64: {  	v4 =	vld [tilespmem:s28+$0x40];
	v6 =	vadd.s32 v0, v5;
	_ =	sdelay $0x4  }
0x65: {  	[tilespmem:v6+s17+$0x0] =	vst.idx.msk $0xffff, v4  }
0x66: {  	v6 =	vadd.s32 v1, v5;
	v4 =	vld [tilespmem:s28+$0x50];
	_ =	sdelay $0x4  }
0x67: {  	[tilespmem:v6+s17+$0x0] =	vst.idx.msk $0xffff, v4  }
0x68: {  	v6 =	vadd.s32 v2, v5;
	v4 =	vld [tilespmem:s28+$0x60];
	_ =	sdelay $0x4  }
0x69: {  	[tilespmem:v6+s17+$0x0] =	vst.idx.msk $0xffff, v4  }
.Ltmp0:
0x6a: {  	v5 =	vadd.s32 v3, v5;
	v4 =	vld [tilespmem:s28+$0x70];
	(pc) =	sbr.rel @p0 .LBB2_3-.Ltmp0, $2  }
0x6b: {  	_ =	sdelay $0x2  }
0x6c: {  	s30 =	sadd.s32 $0x4, s30;
	v6 =	vmov s29  }
0x6d: {  	_ =	sdelay $0x3  }
0x6e: {  	v6 =	vand.u32 $0x7C, v6;
	[tilespmem:v5+s17+$0x0] =	vst.idx.msk $0xffff, v4;
	s0 =	sadd.s32 $0x100, s28  }
0x6f: {  	v4 =	vld [tilespmem:s0+$0xFFFFFF80];
	v5 =	vadd.s32 v0, v6;
	_ =	sdelay $0x4  }
0x70: {  	[tilespmem:v5+s17+$0x0] =	vst.idx.msk $0xffff, v4  }
0x71: {  	v5 =	vadd.s32 v1, v6;
	v4 =	vld [tilespmem:s0+$0xFFFFFF90];
	_ =	sdelay $0x4  }
0x72: {  	[tilespmem:v5+s17+$0x0] =	vst.idx.msk $0xffff, v4  }
0x73: {  	v5 =	vadd.s32 v2, v6;
	v4 =	vld [tilespmem:s0+$0xFFFFFFA0];
	_ =	sdelay $0x4  }
0x74: {  	[tilespmem:v5+s17+$0x0] =	vst.idx.msk $0xffff, v4  }
0x75: {  	v5 =	vadd.s32 v3, v6;
	v4 =	vld [tilespmem:s0+$0xFFFFFFB0];
	_ =	sdelay $0x2  }
0x76: {  	s1 =	sadd.s32 $0x1, s29  }
0x77: {  	v55 =	vmov s1  }
0x78: {  	[tilespmem:v5+s17+$0x0] =	vst.idx.msk $0xffff, v4;
	v4 =	vand.u32 $0x7D, v55  }
0x79: {  	v5 =	vld [tilespmem:s0+$0xFFFFFFC0];
	v6 =	vadd.s32 v0, v4;
	_ =	sdelay $0x4  }
0x7a: {  	[tilespmem:v6+s17+$0x0] =	vst.idx.msk $0xffff, v5  }
0x7b: {  	v56 =	vadd.s32 v1, v4;
	v5 =	vld [tilespmem:s0+$0xFFFFFFD0];
	_ =	sdelay $0x4  }
0x7c: {  	[tilespmem:v56+s17+$0x0] =	vst.idx.msk $0xffff, v5  }
0x7d: {  	v57 =	vadd.s32 v2, v4;
	v5 =	vld [tilespmem:s0+$0xFFFFFFE0];
	_ =	sdelay $0x4  }
0x7e: {  	[tilespmem:v57+s17+$0x0] =	vst.idx.msk $0xffff, v5  }
0x7f: {  	v4 =	vadd.s32 v3, v4;
	v5 =	vld [tilespmem:s0+$0xFFFFFFF0];
	_ =	sdelay $0x2  }
0x80: {  	s10 =	sadd.s32 $0x2, s29  }
0x81: {  	v58 =	vmov s10  }
0x82: {  	[tilespmem:v4+s17+$0x0] =	vst.idx.msk $0xffff, v5;
	v4 =	vand.u32 $0x7E, v58  }
0x83: {  	v5 =	vld [tilespmem:s0+$0x0];
	v6 =	vadd.s32 v0, v4;
	_ =	sdelay $0x4  }
0x84: {  	[tilespmem:v6+s17+$0x0] =	vst.idx.msk $0xffff, v5  }
0x85: {  	v59 =	vadd.s32 v1, v4;
	v5 =	vld [tilespmem:s0+$0x10];
	_ =	sdelay $0x4  }
0x86: {  	[tilespmem:v59+s17+$0x0] =	vst.idx.msk $0xffff, v5  }
0x87: {  	v60 =	vadd.s32 v2, v4;
	v5 =	vld [tilespmem:s0+$0x20];
	_ =	sdelay $0x4  }
0x88: {  	[tilespmem:v60+s17+$0x0] =	vst.idx.msk $0xffff, v5  }
0x89: {  	v4 =	vadd.s32 v3, v4;
	v5 =	vld [tilespmem:s0+$0x30];
	_ =	sdelay $0x2  }
0x8a: {  	s10 =	sadd.s32 $0x3, s29  }
0x8b: {  	v61 =	vmov s10  }
0x8c: {  	[tilespmem:v4+s17+$0x0] =	vst.idx.msk $0xffff, v5;
	v4 =	vand.u32 $0x7F, v61  }
0x8d: {  	v5 =	vld [tilespmem:s0+$0x40];
	v6 =	vadd.s32 v0, v4;
	_ =	sdelay $0x4  }
0x8e: {  	[tilespmem:v6+s17+$0x0] =	vst.idx.msk $0xffff, v5  }
0x8f: {  	v62 =	vadd.s32 v1, v4;
	v5 =	vld [tilespmem:s0+$0x50];
	_ =	sdelay $0x4  }
0x90: {  	[tilespmem:v62+s17+$0x0] =	vst.idx.msk $0xffff, v5  }
0x91: {  	v63 =	vadd.s32 v2, v4;
	v5 =	vld [tilespmem:s0+$0x60];
	_ =	sdelay $0x4  }
0x92: {  	[tilespmem:v63+s17+$0x0] =	vst.idx.msk $0xffff, v5  }
0x93: {  	v4 =	vadd.s32 v3, v4;
	v5 =	vld [tilespmem:s0+$0x70];
	_ =	sdelay $0x1  }
0x94: {  	p0 =	seq.s32 s25, $0x31  }
0x95: {  	s0 =	sshll.u32 @!p0 s25, $0x9  }
0x96: {  	s28 =	sand.u32 @!p0 $0x3FFFFE00, s0  }
0x97: {  	s1 =	simm.s32 @!p0 $0x80;
	s29 =	simm.s32 @!p0 $0x6400;
	s0 =	sadd.s32 @!p0 $0x200, s28;
	[tilespmem:v4+s17+$0x0] =	vst.idx.msk $0xffff, v5  }
0x98: {  	[tilespmem:s29], [sflag:$0x1] =	stream.indirect.gather @!p0 [hbm4b:s4+s1], $0x40, s0, s1, $0xb8;
	[tilespmem:$0x12800] =	vst v63  }
0x99: {  	s1 =	sadd.s32 s6, s26  }
0x9a: {  	s10 =	sshll.u32 s1, $0x7  }
0x9b: {  	s0 =	sshll.u32 s1, $0xA;
	s1 =	sand.u32 $0xE00, s10  }
0x9c: {  	s0 =	sand.u32 $0xFFF8000, s0;
	s1 =	sadd.s32 s2, s1  }
0x9d: {  	s29 =	sadd.s32 s0, s1;
	s1 =	simm.s32 $0xE400  }
0x9e: {  	[hbm4b:s29+s3] =	stream.linear.scatter [tilespmem:s1], [sflag:$0x5], $0x80, $0x38;
	[tilespmem:$0x12800] =	vst v63  }
0x9f: {  	s10 =	simm.s32 $0xE488;
	s1 =	sadd.s32 $0x10, s29  }
0xa0: {  	[hbm4b:s1+s3] =	stream.linear.scatter [tilespmem:s10], [sflag:$0x5], $0x80, $0x38;
	[tilespmem:$0x12800] =	vst v63  }
0xa1: {  	s1 =	simm.s32 $0xE510;
	s10 =	sadd.s32 $0x20, s29  }
0xa2: {  	[hbm4b:s10+s3] =	stream.linear.scatter [tilespmem:s1], [sflag:$0x5], $0x80, $0x38;
	[tilespmem:$0x12800] =	vst v63  }
0xa3: {  	s1 =	simm.s32 $0xE598;
	s10 =	sadd.s32 $0x30, s29  }
0xa4: {  	[hbm4b:s10+s3] =	stream.linear.scatter [tilespmem:s1], [sflag:$0x5], $0x80, $0x38;
	[tilespmem:$0x12800] =	vst v63  }
0xa5: {  	s1 =	simm.s32 $0xE620;
	s10 =	sadd.s32 $0x40, s29  }
0xa6: {  	[hbm4b:s10+s3] =	stream.linear.scatter [tilespmem:s1], [sflag:$0x5], $0x80, $0x38;
	[tilespmem:$0x12800] =	vst v63  }
0xa7: {  	s30 =	simm.s32 $0x2200;
	s1 =	simm.s32 $0xE6A8;
	s10 =	sadd.s32 $0x50, s29  }
0xa8: {  	[hbm4b:s10+s3] =	stream.linear.scatter [tilespmem:s1], [sflag:$0x5], $0x80, $0x38;
	[tilespmem:$0x12800] =	vst v63  }
0xa9: {  	s31 =	simm.s32 $0xE7B8;
	s1 =	simm.s32 $0xE730;
	s10 =	sadd.s32 $0x60, s29  }
0xaa: {  	[hbm4b:s10+s3] =	stream.linear.scatter [tilespmem:s1], [sflag:$0x5], $0x80, $0x38;
	[tilespmem:$0x12800] =	vst v63  }
0xab: {  	s0 =	sadd.s32 $0x70, s29;
	s29 =	sadd.s32 $0x1000, s29;
	s1 =	simm.s32 $0x440  }
.LBB2_5:
0xac: {  	[hbm4b:s0+s3] =	stream.linear.scatter [tilespmem:s31], [sflag:$0x5], $0x80, $0x38;
	[tilespmem:$0x12800] =	vst v63  }
0xad: {  	s0 =	smov.u32 s1;
	s1 =	smov.u32 s30  }
0xae: {  	s10 =	sadd.s32 $0x1100, s30;
	s1 =	sshra.s32 s1, $0x2;
	s31 =	sadd.s32 $0xE400, s0  }
0xaf: {  	[hbm4b:s29+s3] =	stream.linear.scatter [tilespmem:s31], [sflag:$0x5], $0x80, $0x38;
	[tilespmem:$0x12800] =	vst v63  }
0xb0: {  	p2 =	sne.s32 s30, $0x7700;
	s30 =	sadd.s32 $0xE488, s0;
	s31 =	sadd.s32 $0x10, s29  }
0xb1: {  	[hbm4b:s31+s3] =	stream.linear.scatter [tilespmem:s30], [sflag:$0x5], $0x80, $0x38;
	[tilespmem:$0x12800] =	vst v63  }
0xb2: {  	s30 =	sadd.s32 $0xE510, s0;
	s31 =	sadd.s32 $0x20, s29  }
0xb3: {  	[hbm4b:s31+s3] =	stream.linear.scatter [tilespmem:s30], [sflag:$0x5], $0x80, $0x38;
	[tilespmem:$0x12800] =	vst v63  }
0xb4: {  	s30 =	sadd.s32 $0xE598, s0;
	s31 =	sadd.s32 $0x30, s29  }
0xb5: {  	[hbm4b:s31+s3] =	stream.linear.scatter [tilespmem:s30], [sflag:$0x5], $0x80, $0x38;
	[tilespmem:$0x12800] =	vst v63  }
0xb6: {  	s30 =	sadd.s32 $0xE620, s0;
	s31 =	sadd.s32 $0x40, s29  }
0xb7: {  	[hbm4b:s31+s3] =	stream.linear.scatter [tilespmem:s30], [sflag:$0x5], $0x80, $0x38;
	[tilespmem:$0x12800] =	vst v63  }
0xb8: {  	s30 =	sadd.s32 $0xE6A8, s0;
	s31 =	sadd.s32 $0x50, s29  }
0xb9: {  	[hbm4b:s31+s3] =	stream.linear.scatter [tilespmem:s30], [sflag:$0x5], $0x80, $0x38;
	[tilespmem:$0x12800] =	vst v63  }
.Ltmp1:
0xba: {  	_ = 	snop;
	(pc) =	sbr.rel @p2 .LBB2_5-.Ltmp1, $4  }
0xbb: {  	s30 =	sadd.s32 $0xE730, s0;
	s31 =	sadd.s32 $0x60, s29  }
0xbc: {  	[hbm4b:s31+s3] =	stream.linear.scatter [tilespmem:s30], [sflag:$0x5], $0x80, $0x38;
	[tilespmem:$0x12800] =	vst v63  }
0xbd: {  	s31 =	sadd.s32 $0xE7B8, s0  }
0xbe: {  	s0 =	sadd.s32 $0x70, s29;
	s29 =	sadd.s32 $0x1000, s29;
	s30 =	smov.u32 s10  }
0xbf: {  	[hbm4b:s0+s3] =	stream.linear.scatter [tilespmem:s31], [sflag:$0x5], $0x80, $0x38;
	[tilespmem:$0x12800] =	vst v63  }
0xc0: {  	s10 =	sadd.s32 $0xE400, s1  }
0xc1: {  	[hbm4b:s29+s3] =	stream.linear.scatter [tilespmem:s10], [sflag:$0x5], $0x80, $0x38;
	[tilespmem:$0x12800] =	vst v63  }
0xc2: {  	s0 =	sadd.s32 $0xE488, s1;
	s10 =	sadd.s32 $0x10, s29  }
0xc3: {  	[hbm4b:s10+s3] =	stream.linear.scatter [tilespmem:s0], [sflag:$0x5], $0x80, $0x38;
	[tilespmem:$0x12800] =	vst v63  }
0xc4: {  	s0 =	sadd.s32 $0xE510, s1;
	s10 =	sadd.s32 $0x20, s29  }
0xc5: {  	[hbm4b:s10+s3] =	stream.linear.scatter [tilespmem:s0], [sflag:$0x5], $0x80, $0x38;
	[tilespmem:$0x12800] =	vst v63  }
0xc6: {  	s0 =	sadd.s32 $0xE598, s1;
	s10 =	sadd.s32 $0x30, s29  }
0xc7: {  	[hbm4b:s10+s3] =	stream.linear.scatter [tilespmem:s0], [sflag:$0x5], $0x80, $0x38;
	[tilespmem:$0x12800] =	vst v63  }
0xc8: {  	s0 =	sadd.s32 $0xE620, s1;
	s10 =	sadd.s32 $0x40, s29  }
0xc9: {  	[hbm4b:s10+s3] =	stream.linear.scatter [tilespmem:s0], [sflag:$0x5], $0x80, $0x38;
	[tilespmem:$0x12800] =	vst v63  }
0xca: {  	s0 =	sadd.s32 $0xE6A8, s1;
	s10 =	sadd.s32 $0x50, s29  }
0xcb: {  	[hbm4b:s10+s3] =	stream.linear.scatter [tilespmem:s0], [sflag:$0x5], $0x80, $0x38;
	[tilespmem:$0x12800] =	vst v63  }
0xcc: {  	s0 =	sadd.s32 $0xE730, s1;
	s10 =	sadd.s32 $0x60, s29  }
0xcd: {  	[hbm4b:s10+s3] =	stream.linear.scatter [tilespmem:s0], [sflag:$0x5], $0x80, $0x38;
	[tilespmem:$0x12800] =	vst v63  }
0xce: {  	s1 =	sadd.s32 $0xE7B8, s1;
	s10 =	sadd.s32 $0x70, s29  }
0xcf: {  	[hbm4b:s10+s3] =	stream.linear.scatter [tilespmem:s1], [sflag:$0x5], $0x80, $0x38;
	[tilespmem:$0x12800] =	vst v63  }
0xd0: {  	_ =	swait.ge [sflag:s18], $0x2000  }
0xd1: {  	[sflag:s18] =	ssyncset.done $0x0  }
0xd2: {  	s0 =	simm.s32 @!p1 $0x6;
	[sflag:s18] =	ssyncadd.s32 $0xFFFFE000  }
0xd3: {  	s10 =	simm.s32 $0x0;
	_ =	swait.ge @!p1 [sflag:s0], $0x2000  }
0xd4: {  	v4 =	vmov s10;
	[sflag:s0] =	ssyncset.done @!p1 $0x0  }
0xd5: {  	s30 =	simm.s32 $0x8480;
	v4 =	vand.u32 $0x7C, v4;
	[sflag:s0] =	ssyncadd.s32 @!p1 $0xFFFFE000  }
0xd6: {  	v6 =	vadd.s32 v0, v4;
	v5 =	vld [tilespmem:s30+$0xFFFFFF80];
	_ =	sdelay $0x4  }
0xd7: {  	[tilespmem:v6+s19+$0x0] =	vst.idx.msk $0xffff, v5  }
0xd8: {  	v6 =	vadd.s32 v1, v4;
	v5 =	vld [tilespmem:s30+$0xFFFFFF90];
	_ =	sdelay $0x4  }
0xd9: {  	[tilespmem:v6+s19+$0x0] =	vst.idx.msk $0xffff, v5  }
0xda: {  	v6 =	vadd.s32 v2, v4;
	v5 =	vld [tilespmem:s30+$0xFFFFFFA0];
	_ =	sdelay $0x4  }
0xdb: {  	[tilespmem:v6+s19+$0x0] =	vst.idx.msk $0xffff, v5  }
0xdc: {  	v4 =	vadd.s32 v3, v4;
	v5 =	vld [tilespmem:s30+$0xFFFFFFB0];
	_ =	sdelay $0x2  }
0xdd: {  	s10 =	simm.s32 $0x1  }
0xde: {  	v6 =	vmov s10  }
0xdf: {  	[tilespmem:v4+s19+$0x0] =	vst.idx.msk $0xffff, v5;
	v4 =	vand.u32 $0x7D, v6  }
0xe0: {  	v5 =	vld [tilespmem:s30+$0xFFFFFFC0];
	v6 =	vadd.s32 v0, v4;
	_ =	sdelay $0x4  }
0xe1: {  	[tilespmem:v6+s19+$0x0] =	vst.idx.msk $0xffff, v5  }
0xe2: {  	v6 =	vadd.s32 v1, v4;
	v5 =	vld [tilespmem:s30+$0xFFFFFFD0];
	_ =	sdelay $0x4  }
0xe3: {  	[tilespmem:v6+s19+$0x0] =	vst.idx.msk $0xffff, v5  }
0xe4: {  	v6 =	vadd.s32 v2, v4;
	v5 =	vld [tilespmem:s30+$0xFFFFFFE0];
	_ =	sdelay $0x4  }
0xe5: {  	[tilespmem:v6+s19+$0x0] =	vst.idx.msk $0xffff, v5  }
0xe6: {  	v4 =	vadd.s32 v3, v4;
	v5 =	vld [tilespmem:s30+$0xFFFFFFF0];
	_ =	sdelay $0x2  }
0xe7: {  	s1 =	simm.s32 $0x2  }
0xe8: {  	v6 =	vmov s1  }
0xe9: {  	[tilespmem:v4+s19+$0x0] =	vst.idx.msk $0xffff, v5;
	v4 =	vand.u32 $0x7E, v6  }
0xea: {  	v5 =	vld [tilespmem:s30+$0x0];
	v6 =	vadd.s32 v0, v4;
	_ =	sdelay $0x4  }
0xeb: {  	[tilespmem:v6+s19+$0x0] =	vst.idx.msk $0xffff, v5  }
0xec: {  	v6 =	vadd.s32 v1, v4;
	v5 =	vld [tilespmem:s30+$0x10];
	_ =	sdelay $0x4  }
0xed: {  	[tilespmem:v6+s19+$0x0] =	vst.idx.msk $0xffff, v5  }
0xee: {  	v6 =	vadd.s32 v2, v4;
	v5 =	vld [tilespmem:s30+$0x20];
	_ =	sdelay $0x4  }
0xef: {  	[tilespmem:v6+s19+$0x0] =	vst.idx.msk $0xffff, v5  }
0xf0: {  	v4 =	vadd.s32 v3, v4;
	v5 =	vld [tilespmem:s30+$0x30];
	_ =	sdelay $0x2  }
0xf1: {  	s10 =	simm.s32 $0x3  }
0xf2: {  	v6 =	vmov s10  }
0xf3: {  	[tilespmem:v4+s19+$0x0] =	vst.idx.msk $0xffff, v5;
	v5 =	vand.u32 $0x7F, v6  }
0xf4: {  	v4 =	vld [tilespmem:s30+$0x40];
	v6 =	vadd.s32 v0, v5;
	_ =	sdelay $0x4  }
0xf5: {  	[tilespmem:v6+s19+$0x0] =	vst.idx.msk $0xffff, v4  }
0xf6: {  	v6 =	vadd.s32 v1, v5;
	v4 =	vld [tilespmem:s30+$0x50];
	_ =	sdelay $0x4  }
0xf7: {  	[tilespmem:v6+s19+$0x0] =	vst.idx.msk $0xffff, v4  }
0xf8: {  	v6 =	vadd.s32 v2, v5;
	v4 =	vld [tilespmem:s30+$0x60];
	_ =	sdelay $0x4  }
0xf9: {  	[tilespmem:v6+s19+$0x0] =	vst.idx.msk $0xffff, v4  }
0xfa: {  	v5 =	vadd.s32 v3, v5;
	v4 =	vld [tilespmem:s30+$0x70];
	_ =	sdelay $0x2  }
0xfb: {  	s31 =	simm.s32 $0x4  }
0xfc: {  	s29 =	sor.u32 $0x1, s26;
	s1 =	simm.s32 $0x8;
	v6 =	vmov s31  }
.LBB2_7:
0xfd: {  	p1 =	sne.s32 s1, $0x7C;
	v6 =	vand.u32 $0x7C, v6;
	[tilespmem:v5+s19+$0x0] =	vst.idx.msk $0xffff, v4;
	s30 =	sadd.s32 $0x100, s30  }
0xfe: {  	v4 =	vld [tilespmem:s30+$0xFFFFFF80];
	v5 =	vadd.s32 v0, v6;
	_ =	sdelay $0x4  }
0xff: {  	[tilespmem:v5+s19+$0x0] =	vst.idx.msk $0xffff, v4  }
0x100: {  	v5 =	vadd.s32 v1, v6;
	v4 =	vld [tilespmem:s30+$0xFFFFFF90];
	_ =	sdelay $0x4  }
0x101: {  	[tilespmem:v5+s19+$0x0] =	vst.idx.msk $0xffff, v4  }
0x102: {  	v5 =	vadd.s32 v2, v6;
	v4 =	vld [tilespmem:s30+$0xFFFFFFA0];
	_ =	sdelay $0x4  }
0x103: {  	[tilespmem:v5+s19+$0x0] =	vst.idx.msk $0xffff, v4  }
0x104: {  	v5 =	vadd.s32 v3, v6;
	v4 =	vld [tilespmem:s30+$0xFFFFFFB0];
	_ =	sdelay $0x2  }
0x105: {  	s0 =	sadd.s32 $0x1, s31  }
0x106: {  	v6 =	vmov s0  }
0x107: {  	[tilespmem:v5+s19+$0x0] =	vst.idx.msk $0xffff, v4;
	v4 =	vand.u32 $0x7D, v6  }
0x108: {  	v5 =	vld [tilespmem:s30+$0xFFFFFFC0];
	v6 =	vadd.s32 v0, v4;
	_ =	sdelay $0x4  }
0x109: {  	[tilespmem:v6+s19+$0x0] =	vst.idx.msk $0xffff, v5  }
0x10a: {  	v6 =	vadd.s32 v1, v4;
	v5 =	vld [tilespmem:s30+$0xFFFFFFD0];
	_ =	sdelay $0x4  }
0x10b: {  	[tilespmem:v6+s19+$0x0] =	vst.idx.msk $0xffff, v5  }
0x10c: {  	v6 =	vadd.s32 v2, v4;
	v5 =	vld [tilespmem:s30+$0xFFFFFFE0];
	_ =	sdelay $0x4  }
0x10d: {  	[tilespmem:v6+s19+$0x0] =	vst.idx.msk $0xffff, v5  }
0x10e: {  	v4 =	vadd.s32 v3, v4;
	v5 =	vld [tilespmem:s30+$0xFFFFFFF0];
	_ =	sdelay $0x2  }
0x10f: {  	s0 =	sadd.s32 $0x2, s31  }
0x110: {  	v6 =	vmov s0  }
0x111: {  	[tilespmem:v4+s19+$0x0] =	vst.idx.msk $0xffff, v5;
	v4 =	vand.u32 $0x7E, v6  }
0x112: {  	v5 =	vld [tilespmem:s30+$0x0];
	v6 =	vadd.s32 v0, v4;
	_ =	sdelay $0x4  }
0x113: {  	[tilespmem:v6+s19+$0x0] =	vst.idx.msk $0xffff, v5  }
0x114: {  	v6 =	vadd.s32 v1, v4;
	v5 =	vld [tilespmem:s30+$0x10];
	_ =	sdelay $0x4  }
0x115: {  	[tilespmem:v6+s19+$0x0] =	vst.idx.msk $0xffff, v5  }
0x116: {  	v6 =	vadd.s32 v2, v4;
	v5 =	vld [tilespmem:s30+$0x20];
	_ =	sdelay $0x4  }
0x117: {  	[tilespmem:v6+s19+$0x0] =	vst.idx.msk $0xffff, v5  }
0x118: {  	v4 =	vadd.s32 v3, v4;
	v5 =	vld [tilespmem:s30+$0x30];
	_ =	sdelay $0x2  }
0x119: {  	s0 =	sadd.s32 $0x3, s31;
	s31 =	smov.u32 s1  }
0x11a: {  	v6 =	vmov s0  }
0x11b: {  	[tilespmem:v4+s19+$0x0] =	vst.idx.msk $0xffff, v5;
	v5 =	vand.u32 $0x7F, v6  }
0x11c: {  	v4 =	vld [tilespmem:s30+$0x40];
	v6 =	vadd.s32 v0, v5;
	_ =	sdelay $0x4  }
0x11d: {  	[tilespmem:v6+s19+$0x0] =	vst.idx.msk $0xffff, v4  }
0x11e: {  	v6 =	vadd.s32 v1, v5;
	v4 =	vld [tilespmem:s30+$0x50];
	_ =	sdelay $0x4  }
0x11f: {  	[tilespmem:v6+s19+$0x0] =	vst.idx.msk $0xffff, v4  }
0x120: {  	v6 =	vadd.s32 v2, v5;
	v4 =	vld [tilespmem:s30+$0x60];
	_ =	sdelay $0x4  }
0x121: {  	[tilespmem:v6+s19+$0x0] =	vst.idx.msk $0xffff, v4  }
.Ltmp2:
0x122: {  	v5 =	vadd.s32 v3, v5;
	v4 =	vld [tilespmem:s30+$0x70];
	(pc) =	sbr.rel @p1 .LBB2_7-.Ltmp2, $2  }
0x123: {  	_ =	sdelay $0x2  }
0x124: {  	s1 =	sadd.s32 $0x4, s1;
	v6 =	vmov s31  }
0x125: {  	_ =	sdelay $0x3  }
0x126: {  	v6 =	vand.u32 $0x7C, v6;
	[tilespmem:v5+s19+$0x0] =	vst.idx.msk $0xffff, v4;
	s0 =	sadd.s32 $0x100, s30  }
0x127: {  	v4 =	vld [tilespmem:s0+$0xFFFFFF80];
	v5 =	vadd.s32 v0, v6;
	_ =	sdelay $0x4  }
0x128: {  	[tilespmem:v5+s19+$0x0] =	vst.idx.msk $0xffff, v4  }
0x129: {  	v5 =	vadd.s32 v1, v6;
	v4 =	vld [tilespmem:s0+$0xFFFFFF90];
	_ =	sdelay $0x4  }
0x12a: {  	[tilespmem:v5+s19+$0x0] =	vst.idx.msk $0xffff, v4  }
0x12b: {  	v5 =	vadd.s32 v2, v6;
	v4 =	vld [tilespmem:s0+$0xFFFFFFA0];
	_ =	sdelay $0x4  }
0x12c: {  	[tilespmem:v5+s19+$0x0] =	vst.idx.msk $0xffff, v4  }
0x12d: {  	v5 =	vadd.s32 v3, v6;
	v4 =	vld [tilespmem:s0+$0xFFFFFFB0];
	_ =	sdelay $0x2  }
0x12e: {  	s1 =	sadd.s32 $0x1, s31  }
0x12f: {  	v55 =	vmov s1  }
0x130: {  	[tilespmem:v5+s19+$0x0] =	vst.idx.msk $0xffff, v4;
	v4 =	vand.u32 $0x7D, v55  }
0x131: {  	v5 =	vld [tilespmem:s0+$0xFFFFFFC0];
	v6 =	vadd.s32 v0, v4;
	_ =	sdelay $0x4  }
0x132: {  	[tilespmem:v6+s19+$0x0] =	vst.idx.msk $0xffff, v5  }
0x133: {  	v56 =	vadd.s32 v1, v4;
	v5 =	vld [tilespmem:s0+$0xFFFFFFD0];
	_ =	sdelay $0x4  }
0x134: {  	[tilespmem:v56+s19+$0x0] =	vst.idx.msk $0xffff, v5  }
0x135: {  	v57 =	vadd.s32 v2, v4;
	v5 =	vld [tilespmem:s0+$0xFFFFFFE0];
	_ =	sdelay $0x4  }
0x136: {  	[tilespmem:v57+s19+$0x0] =	vst.idx.msk $0xffff, v5  }
0x137: {  	v4 =	vadd.s32 v3, v4;
	v5 =	vld [tilespmem:s0+$0xFFFFFFF0];
	_ =	sdelay $0x2  }
0x138: {  	s10 =	sadd.s32 $0x2, s31  }
0x139: {  	v58 =	vmov s10  }
0x13a: {  	[tilespmem:v4+s19+$0x0] =	vst.idx.msk $0xffff, v5;
	v4 =	vand.u32 $0x7E, v58  }
0x13b: {  	v5 =	vld [tilespmem:s0+$0x0];
	v6 =	vadd.s32 v0, v4;
	_ =	sdelay $0x4  }
0x13c: {  	[tilespmem:v6+s19+$0x0] =	vst.idx.msk $0xffff, v5  }
0x13d: {  	v59 =	vadd.s32 v1, v4;
	v5 =	vld [tilespmem:s0+$0x10];
	_ =	sdelay $0x4  }
0x13e: {  	[tilespmem:v59+s19+$0x0] =	vst.idx.msk $0xffff, v5  }
0x13f: {  	v60 =	vadd.s32 v2, v4;
	v5 =	vld [tilespmem:s0+$0x20];
	_ =	sdelay $0x4  }
0x140: {  	[tilespmem:v60+s19+$0x0] =	vst.idx.msk $0xffff, v5  }
0x141: {  	v4 =	vadd.s32 v3, v4;
	v5 =	vld [tilespmem:s0+$0x30];
	_ =	sdelay $0x2  }
0x142: {  	s10 =	sadd.s32 $0x3, s31  }
0x143: {  	v61 =	vmov s10  }
0x144: {  	[tilespmem:v4+s19+$0x0] =	vst.idx.msk $0xffff, v5;
	v4 =	vand.u32 $0x7F, v61  }
0x145: {  	v5 =	vld [tilespmem:s0+$0x40];
	v6 =	vadd.s32 v0, v4;
	_ =	sdelay $0x4  }
0x146: {  	[tilespmem:v6+s19+$0x0] =	vst.idx.msk $0xffff, v5  }
0x147: {  	v62 =	vadd.s32 v1, v4;
	v5 =	vld [tilespmem:s0+$0x50];
	_ =	sdelay $0x4  }
0x148: {  	[tilespmem:v62+s19+$0x0] =	vst.idx.msk $0xffff, v5  }
0x149: {  	v63 =	vadd.s32 v2, v4;
	v5 =	vld [tilespmem:s0+$0x60];
	_ =	sdelay $0x4  }
0x14a: {  	[tilespmem:v63+s19+$0x0] =	vst.idx.msk $0xffff, v5  }
0x14b: {  	v4 =	vadd.s32 v3, v4;
	v5 =	vld [tilespmem:s0+$0x70];
	_ =	sdelay $0x4  }
0x14c: {  	s1 =	simm.s32 @!p0 $0x80;
	s10 =	simm.s32 @!p0 $0x8400;
	s0 =	sadd.s32 @!p0 $0x280, s28;
	[tilespmem:v4+s19+$0x0] =	vst.idx.msk $0xffff, v5  }
0x14d: {  	[tilespmem:s10], [sflag:$0x2] =	stream.indirect.gather @!p0 [hbm4b:s4+s1], $0x40, s0, s1, $0xb8;
	[tilespmem:$0x12800] =	vst v63  }
0x14e: {  	s1 =	sadd.s32 s6, s29  }
0x14f: {  	s10 =	sshll.u32 s1, $0x7  }
0x150: {  	s0 =	sshll.u32 s1, $0xA;
	s1 =	sand.u32 $0xE80, s10  }
0x151: {  	s0 =	sand.u32 $0xFFF8000, s0;
	s1 =	sadd.s32 s2, s1  }
0x152: {  	s10 =	sadd.s32 s0, s1;
	s1 =	simm.s32 $0x10600  }
0x153: {  	[hbm4b:s10+s3] =	stream.linear.scatter [tilespmem:s1], [sflag:$0x6], $0x80, $0x38;
	[tilespmem:$0x12800] =	vst v63  }
0x154: {  	s0 =	simm.s32 $0x10688;
	s1 =	sadd.s32 $0x10, s10  }
0x155: {  	[hbm4b:s1+s3] =	stream.linear.scatter [tilespmem:s0], [sflag:$0x6], $0x80, $0x38;
	[tilespmem:$0x12800] =	vst v63  }
0x156: {  	s0 =	simm.s32 $0x10710;
	s1 =	sadd.s32 $0x20, s10  }
0x157: {  	[hbm4b:s1+s3] =	stream.linear.scatter [tilespmem:s0], [sflag:$0x6], $0x80, $0x38;
	[tilespmem:$0x12800] =	vst v63  }
0x158: {  	s0 =	simm.s32 $0x10798;
	s1 =	sadd.s32 $0x30, s10  }
0x159: {  	[hbm4b:s1+s3] =	stream.linear.scatter [tilespmem:s0], [sflag:$0x6], $0x80, $0x38;
	[tilespmem:$0x12800] =	vst v63  }
0x15a: {  	s0 =	simm.s32 $0x10820;
	s1 =	sadd.s32 $0x40, s10  }
0x15b: {  	[hbm4b:s1+s3] =	stream.linear.scatter [tilespmem:s0], [sflag:$0x6], $0x80, $0x38;
	[tilespmem:$0x12800] =	vst v63  }
0x15c: {  	s30 =	simm.s32 $0x2200;
	s0 =	simm.s32 $0x108A8;
	s1 =	sadd.s32 $0x50, s10  }
0x15d: {  	[hbm4b:s1+s3] =	stream.linear.scatter [tilespmem:s0], [sflag:$0x6], $0x80, $0x38;
	[tilespmem:$0x12800] =	vst v63  }
0x15e: {  	s31 =	simm.s32 $0x109B8;
	s0 =	simm.s32 $0x10930;
	s1 =	sadd.s32 $0x60, s10  }
0x15f: {  	[hbm4b:s1+s3] =	stream.linear.scatter [tilespmem:s0], [sflag:$0x6], $0x80, $0x38;
	[tilespmem:$0x12800] =	vst v63  }
0x160: {  	s29 =	sadd.s32 $0x1000, s10;
	s1 =	simm.s32 $0x440;
	s0 =	sadd.s32 $0x70, s10  }
.LBB2_9:
0x161: {  	[hbm4b:s0+s3] =	stream.linear.scatter [tilespmem:s31], [sflag:$0x6], $0x80, $0x38;
	[tilespmem:$0x12800] =	vst v63  }
0x162: {  	s0 =	smov.u32 s1;
	s1 =	smov.u32 s30  }
0x163: {  	s10 =	sadd.s32 $0x1100, s30;
	s1 =	sshra.s32 s1, $0x2;
	s31 =	sadd.s32 $0x10600, s0  }
0x164: {  	[hbm4b:s29+s3] =	stream.linear.scatter [tilespmem:s31], [sflag:$0x6], $0x80, $0x38;
	[tilespmem:$0x12800] =	vst v63  }
0x165: {  	p1 =	sne.s32 s30, $0x7700;
	s30 =	sadd.s32 $0x10688, s0;
	s31 =	sadd.s32 $0x10, s29  }
0x166: {  	[hbm4b:s31+s3] =	stream.linear.scatter [tilespmem:s30], [sflag:$0x6], $0x80, $0x38;
	[tilespmem:$0x12800] =	vst v63  }
0x167: {  	s30 =	sadd.s32 $0x10710, s0;
	s31 =	sadd.s32 $0x20, s29  }
0x168: {  	[hbm4b:s31+s3] =	stream.linear.scatter [tilespmem:s30], [sflag:$0x6], $0x80, $0x38;
	[tilespmem:$0x12800] =	vst v63  }
0x169: {  	s30 =	sadd.s32 $0x10798, s0;
	s31 =	sadd.s32 $0x30, s29  }
0x16a: {  	[hbm4b:s31+s3] =	stream.linear.scatter [tilespmem:s30], [sflag:$0x6], $0x80, $0x38;
	[tilespmem:$0x12800] =	vst v63  }
0x16b: {  	s30 =	sadd.s32 $0x10820, s0;
	s31 =	sadd.s32 $0x40, s29  }
0x16c: {  	[hbm4b:s31+s3] =	stream.linear.scatter [tilespmem:s30], [sflag:$0x6], $0x80, $0x38;
	[tilespmem:$0x12800] =	vst v63  }
0x16d: {  	s30 =	sadd.s32 $0x108A8, s0;
	s31 =	sadd.s32 $0x50, s29  }
0x16e: {  	[hbm4b:s31+s3] =	stream.linear.scatter [tilespmem:s30], [sflag:$0x6], $0x80, $0x38;
	[tilespmem:$0x12800] =	vst v63  }
.Ltmp3:
0x16f: {  	_ = 	snop;
	(pc) =	sbr.rel @p1 .LBB2_9-.Ltmp3, $4  }
0x170: {  	s30 =	sadd.s32 $0x10930, s0;
	s31 =	sadd.s32 $0x60, s29  }
0x171: {  	[hbm4b:s31+s3] =	stream.linear.scatter [tilespmem:s30], [sflag:$0x6], $0x80, $0x38;
	[tilespmem:$0x12800] =	vst v63  }
0x172: {  	s31 =	sadd.s32 $0x109B8, s0  }
0x173: {  	s0 =	sadd.s32 $0x70, s29;
	s29 =	sadd.s32 $0x1000, s29;
	s30 =	smov.u32 s10  }
0x174: {  	[hbm4b:s0+s3] =	stream.linear.scatter [tilespmem:s31], [sflag:$0x6], $0x80, $0x38;
	[tilespmem:$0x12800] =	vst v63  }
0x175: {  	s10 =	sadd.s32 $0x10600, s1  }
0x176: {  	[hbm4b:s29+s3] =	stream.linear.scatter [tilespmem:s10], [sflag:$0x6], $0x80, $0x38;
	[tilespmem:$0x12800] =	vst v63  }
0x177: {  	s31 =	sadd.s32 $0x10688, s1;
	s10 =	sadd.s32 $0x10, s29  }
0x178: {  	[hbm4b:s10+s3] =	stream.linear.scatter [tilespmem:s31], [sflag:$0x6], $0x80, $0x38;
	[tilespmem:$0x12800] =	vst v63  }
0x179: {  	s10 =	sadd.s32 $0x10710, s1;
	s31 =	sadd.s32 $0x20, s29  }
0x17a: {  	[hbm4b:s31+s3] =	stream.linear.scatter [tilespmem:s10], [sflag:$0x6], $0x80, $0x38;
	[tilespmem:$0x12800] =	vst v63  }
0x17b: {  	s10 =	sadd.s32 $0x10798, s1;
	s31 =	sadd.s32 $0x30, s29  }
0x17c: {  	[hbm4b:s31+s3] =	stream.linear.scatter [tilespmem:s10], [sflag:$0x6], $0x80, $0x38;
	[tilespmem:$0x12800] =	vst v63  }
0x17d: {  	s10 =	sadd.s32 $0x10820, s1;
	s31 =	sadd.s32 $0x40, s29  }
0x17e: {  	[hbm4b:s31+s3] =	stream.linear.scatter [tilespmem:s10], [sflag:$0x6], $0x80, $0x38;
	[tilespmem:$0x12800] =	vst v63  }
0x17f: {  	s10 =	sadd.s32 $0x108A8, s1;
	s31 =	sadd.s32 $0x50, s29  }
0x180: {  	[hbm4b:s31+s3] =	stream.linear.scatter [tilespmem:s10], [sflag:$0x6], $0x80, $0x38;
	[tilespmem:$0x12800] =	vst v63  }
0x181: {  	s10 =	sadd.s32 $0x10930, s1;
	s31 =	sadd.s32 $0x60, s29  }
0x182: {  	[hbm4b:s31+s3] =	stream.linear.scatter [tilespmem:s10], [sflag:$0x6], $0x80, $0x38;
	[tilespmem:$0x12800] =	vst v63  }
0x183: {  	s1 =	sadd.s32 $0x109B8, s1;
	s10 =	sadd.s32 $0x70, s29  }
0x184: {  	[hbm4b:s10+s3] =	stream.linear.scatter [tilespmem:s1], [sflag:$0x6], $0x80, $0x38;
	[tilespmem:$0x12800] =	vst v63  }
0x185: {  	_ =	swait.ge [sflag:s20], $0x2000  }
0x186: {  	[sflag:s20] =	ssyncset.done $0x0  }
0x187: {  	[sflag:s20] =	ssyncadd.s32 $0xFFFFE000  }
0x188: {  	s31 =	simm.s32 $0x0;
	_ =	swait.ge [sflag:s21], $0x2000  }
0x189: {  	v4 =	vmov s31;
	[sflag:s21] =	ssyncset.done $0x0  }
0x18a: {  	s29 =	simm.s32 $0xA480;
	v4 =	vand.u32 $0x7C, v4;
	[sflag:s21] =	ssyncadd.s32 $0xFFFFE000  }
0x18b: {  	v6 =	vadd.s32 v0, v4;
	v5 =	vld [tilespmem:s29+$0xFFFFFF80];
	_ =	sdelay $0x4  }
0x18c: {  	[tilespmem:v6+s17+$0x0] =	vst.idx.msk $0xffff, v5  }
0x18d: {  	v6 =	vadd.s32 v1, v4;
	v5 =	vld [tilespmem:s29+$0xFFFFFF90];
	_ =	sdelay $0x4  }
0x18e: {  	[tilespmem:v6+s17+$0x0] =	vst.idx.msk $0xffff, v5  }
0x18f: {  	v6 =	vadd.s32 v2, v4;
	v5 =	vld [tilespmem:s29+$0xFFFFFFA0];
	_ =	sdelay $0x4  }
0x190: {  	[tilespmem:v6+s17+$0x0] =	vst.idx.msk $0xffff, v5  }
0x191: {  	v4 =	vadd.s32 v3, v4;
	v5 =	vld [tilespmem:s29+$0xFFFFFFB0];
	_ =	sdelay $0x2  }
0x192: {  	s1 =	simm.s32 $0x1  }
0x193: {  	v6 =	vmov s1  }
0x194: {  	[tilespmem:v4+s17+$0x0] =	vst.idx.msk $0xffff, v5;
	v4 =	vand.u32 $0x7D, v6  }
0x195: {  	v5 =	vld [tilespmem:s29+$0xFFFFFFC0];
	v6 =	vadd.s32 v0, v4;
	_ =	sdelay $0x4  }
0x196: {  	[tilespmem:v6+s17+$0x0] =	vst.idx.msk $0xffff, v5  }
0x197: {  	v6 =	vadd.s32 v1, v4;
	v5 =	vld [tilespmem:s29+$0xFFFFFFD0];
	_ =	sdelay $0x4  }
0x198: {  	[tilespmem:v6+s17+$0x0] =	vst.idx.msk $0xffff, v5  }
0x199: {  	v6 =	vadd.s32 v2, v4;
	v5 =	vld [tilespmem:s29+$0xFFFFFFE0];
	_ =	sdelay $0x4  }
0x19a: {  	[tilespmem:v6+s17+$0x0] =	vst.idx.msk $0xffff, v5  }
0x19b: {  	v4 =	vadd.s32 v3, v4;
	v5 =	vld [tilespmem:s29+$0xFFFFFFF0];
	_ =	sdelay $0x2  }
0x19c: {  	s10 =	simm.s32 $0x2  }
0x19d: {  	v6 =	vmov s10  }
0x19e: {  	[tilespmem:v4+s17+$0x0] =	vst.idx.msk $0xffff, v5;
	v4 =	vand.u32 $0x7E, v6  }
0x19f: {  	v5 =	vld [tilespmem:s29+$0x0];
	v6 =	vadd.s32 v0, v4;
	_ =	sdelay $0x4  }
0x1a0: {  	[tilespmem:v6+s17+$0x0] =	vst.idx.msk $0xffff, v5  }
0x1a1: {  	v6 =	vadd.s32 v1, v4;
	v5 =	vld [tilespmem:s29+$0x10];
	_ =	sdelay $0x4  }
0x1a2: {  	[tilespmem:v6+s17+$0x0] =	vst.idx.msk $0xffff, v5  }
0x1a3: {  	v6 =	vadd.s32 v2, v4;
	v5 =	vld [tilespmem:s29+$0x20];
	_ =	sdelay $0x4  }
0x1a4: {  	[tilespmem:v6+s17+$0x0] =	vst.idx.msk $0xffff, v5  }
0x1a5: {  	v4 =	vadd.s32 v3, v4;
	v5 =	vld [tilespmem:s29+$0x30];
	_ =	sdelay $0x2  }
0x1a6: {  	s31 =	simm.s32 $0x3  }
0x1a7: {  	v6 =	vmov s31  }
0x1a8: {  	[tilespmem:v4+s17+$0x0] =	vst.idx.msk $0xffff, v5;
	v5 =	vand.u32 $0x7F, v6  }
0x1a9: {  	v4 =	vld [tilespmem:s29+$0x40];
	v6 =	vadd.s32 v0, v5;
	_ =	sdelay $0x4  }
0x1aa: {  	[tilespmem:v6+s17+$0x0] =	vst.idx.msk $0xffff, v4  }
0x1ab: {  	v6 =	vadd.s32 v1, v5;
	v4 =	vld [tilespmem:s29+$0x50];
	_ =	sdelay $0x4  }
0x1ac: {  	[tilespmem:v6+s17+$0x0] =	vst.idx.msk $0xffff, v4  }
0x1ad: {  	v6 =	vadd.s32 v2, v5;
	v4 =	vld [tilespmem:s29+$0x60];
	_ =	sdelay $0x4  }
0x1ae: {  	[tilespmem:v6+s17+$0x0] =	vst.idx.msk $0xffff, v4  }
0x1af: {  	v5 =	vadd.s32 v3, v5;
	v4 =	vld [tilespmem:s29+$0x70];
	_ =	sdelay $0x2  }
0x1b0: {  	s30 =	simm.s32 $0x4  }
0x1b1: {  	s1 =	simm.s32 $0x8;
	v6 =	vmov s30  }
.LBB2_11:
0x1b2: {  	p1 =	sne.s32 s1, $0x7C;
	v6 =	vand.u32 $0x7C, v6;
	[tilespmem:v5+s17+$0x0] =	vst.idx.msk $0xffff, v4;
	s29 =	sadd.s32 $0x100, s29  }
0x1b3: {  	v4 =	vld [tilespmem:s29+$0xFFFFFF80];
	v5 =	vadd.s32 v0, v6;
	_ =	sdelay $0x4  }
0x1b4: {  	[tilespmem:v5+s17+$0x0] =	vst.idx.msk $0xffff, v4  }
0x1b5: {  	v5 =	vadd.s32 v1, v6;
	v4 =	vld [tilespmem:s29+$0xFFFFFF90];
	_ =	sdelay $0x4  }
0x1b6: {  	[tilespmem:v5+s17+$0x0] =	vst.idx.msk $0xffff, v4  }
0x1b7: {  	v5 =	vadd.s32 v2, v6;
	v4 =	vld [tilespmem:s29+$0xFFFFFFA0];
	_ =	sdelay $0x4  }
0x1b8: {  	[tilespmem:v5+s17+$0x0] =	vst.idx.msk $0xffff, v4  }
0x1b9: {  	v5 =	vadd.s32 v3, v6;
	v4 =	vld [tilespmem:s29+$0xFFFFFFB0];
	_ =	sdelay $0x2  }
0x1ba: {  	s0 =	sadd.s32 $0x1, s30  }
0x1bb: {  	v6 =	vmov s0  }
0x1bc: {  	[tilespmem:v5+s17+$0x0] =	vst.idx.msk $0xffff, v4;
	v4 =	vand.u32 $0x7D, v6  }
0x1bd: {  	v5 =	vld [tilespmem:s29+$0xFFFFFFC0];
	v6 =	vadd.s32 v0, v4;
	_ =	sdelay $0x4  }
0x1be: {  	[tilespmem:v6+s17+$0x0] =	vst.idx.msk $0xffff, v5  }
0x1bf: {  	v6 =	vadd.s32 v1, v4;
	v5 =	vld [tilespmem:s29+$0xFFFFFFD0];
	_ =	sdelay $0x4  }
0x1c0: {  	[tilespmem:v6+s17+$0x0] =	vst.idx.msk $0xffff, v5  }
0x1c1: {  	v6 =	vadd.s32 v2, v4;
	v5 =	vld [tilespmem:s29+$0xFFFFFFE0];
	_ =	sdelay $0x4  }
0x1c2: {  	[tilespmem:v6+s17+$0x0] =	vst.idx.msk $0xffff, v5  }
0x1c3: {  	v4 =	vadd.s32 v3, v4;
	v5 =	vld [tilespmem:s29+$0xFFFFFFF0];
	_ =	sdelay $0x2  }
0x1c4: {  	s0 =	sadd.s32 $0x2, s30  }
0x1c5: {  	v6 =	vmov s0  }
0x1c6: {  	[tilespmem:v4+s17+$0x0] =	vst.idx.msk $0xffff, v5;
	v4 =	vand.u32 $0x7E, v6  }
0x1c7: {  	v5 =	vld [tilespmem:s29+$0x0];
	v6 =	vadd.s32 v0, v4;
	_ =	sdelay $0x4  }
0x1c8: {  	[tilespmem:v6+s17+$0x0] =	vst.idx.msk $0xffff, v5  }
0x1c9: {  	v6 =	vadd.s32 v1, v4;
	v5 =	vld [tilespmem:s29+$0x10];
	_ =	sdelay $0x4  }
0x1ca: {  	[tilespmem:v6+s17+$0x0] =	vst.idx.msk $0xffff, v5  }
0x1cb: {  	v6 =	vadd.s32 v2, v4;
	v5 =	vld [tilespmem:s29+$0x20];
	_ =	sdelay $0x4  }
0x1cc: {  	[tilespmem:v6+s17+$0x0] =	vst.idx.msk $0xffff, v5  }
0x1cd: {  	v4 =	vadd.s32 v3, v4;
	v5 =	vld [tilespmem:s29+$0x30];
	_ =	sdelay $0x2  }
0x1ce: {  	s0 =	sadd.s32 $0x3, s30;
	s30 =	smov.u32 s1  }
0x1cf: {  	v6 =	vmov s0  }
0x1d0: {  	[tilespmem:v4+s17+$0x0] =	vst.idx.msk $0xffff, v5;
	v5 =	vand.u32 $0x7F, v6  }
0x1d1: {  	v4 =	vld [tilespmem:s29+$0x40];
	v6 =	vadd.s32 v0, v5;
	_ =	sdelay $0x4  }
0x1d2: {  	[tilespmem:v6+s17+$0x0] =	vst.idx.msk $0xffff, v4  }
0x1d3: {  	v6 =	vadd.s32 v1, v5;
	v4 =	vld [tilespmem:s29+$0x50];
	_ =	sdelay $0x4  }
0x1d4: {  	[tilespmem:v6+s17+$0x0] =	vst.idx.msk $0xffff, v4  }
0x1d5: {  	v6 =	vadd.s32 v2, v5;
	v4 =	vld [tilespmem:s29+$0x60];
	_ =	sdelay $0x4  }
0x1d6: {  	[tilespmem:v6+s17+$0x0] =	vst.idx.msk $0xffff, v4  }
.Ltmp4:
0x1d7: {  	v5 =	vadd.s32 v3, v5;
	v4 =	vld [tilespmem:s29+$0x70];
	(pc) =	sbr.rel @p1 .LBB2_11-.Ltmp4, $2  }
0x1d8: {  	_ =	sdelay $0x2  }
0x1d9: {  	s1 =	sadd.s32 $0x4, s1;
	v6 =	vmov s30  }
0x1da: {  	_ =	sdelay $0x3  }
0x1db: {  	v6 =	vand.u32 $0x7C, v6;
	[tilespmem:v5+s17+$0x0] =	vst.idx.msk $0xffff, v4;
	s0 =	sadd.s32 $0x100, s29  }
0x1dc: {  	v4 =	vld [tilespmem:s0+$0xFFFFFF80];
	v5 =	vadd.s32 v0, v6;
	_ =	sdelay $0x4  }
0x1dd: {  	[tilespmem:v5+s17+$0x0] =	vst.idx.msk $0xffff, v4  }
0x1de: {  	v5 =	vadd.s32 v1, v6;
	v4 =	vld [tilespmem:s0+$0xFFFFFF90];
	_ =	sdelay $0x4  }
0x1df: {  	[tilespmem:v5+s17+$0x0] =	vst.idx.msk $0xffff, v4  }
0x1e0: {  	v5 =	vadd.s32 v2, v6;
	v4 =	vld [tilespmem:s0+$0xFFFFFFA0];
	_ =	sdelay $0x4  }
0x1e1: {  	[tilespmem:v5+s17+$0x0] =	vst.idx.msk $0xffff, v4  }
0x1e2: {  	v5 =	vadd.s32 v3, v6;
	v4 =	vld [tilespmem:s0+$0xFFFFFFB0];
	_ =	sdelay $0x2  }
0x1e3: {  	s1 =	sadd.s32 $0x1, s30  }
0x1e4: {  	v55 =	vmov s1  }
0x1e5: {  	[tilespmem:v5+s17+$0x0] =	vst.idx.msk $0xffff, v4;
	v4 =	vand.u32 $0x7D, v55  }
0x1e6: {  	v5 =	vld [tilespmem:s0+$0xFFFFFFC0];
	v6 =	vadd.s32 v0, v4;
	_ =	sdelay $0x4  }
0x1e7: {  	[tilespmem:v6+s17+$0x0] =	vst.idx.msk $0xffff, v5  }
0x1e8: {  	v56 =	vadd.s32 v1, v4;
	v5 =	vld [tilespmem:s0+$0xFFFFFFD0];
	_ =	sdelay $0x4  }
0x1e9: {  	[tilespmem:v56+s17+$0x0] =	vst.idx.msk $0xffff, v5  }
0x1ea: {  	v57 =	vadd.s32 v2, v4;
	v5 =	vld [tilespmem:s0+$0xFFFFFFE0];
	_ =	sdelay $0x4  }
0x1eb: {  	[tilespmem:v57+s17+$0x0] =	vst.idx.msk $0xffff, v5  }
0x1ec: {  	v4 =	vadd.s32 v3, v4;
	v5 =	vld [tilespmem:s0+$0xFFFFFFF0];
	_ =	sdelay $0x2  }
0x1ed: {  	s10 =	sadd.s32 $0x2, s30  }
0x1ee: {  	v58 =	vmov s10  }
0x1ef: {  	[tilespmem:v4+s17+$0x0] =	vst.idx.msk $0xffff, v5;
	v4 =	vand.u32 $0x7E, v58  }
0x1f0: {  	v5 =	vld [tilespmem:s0+$0x0];
	v6 =	vadd.s32 v0, v4;
	_ =	sdelay $0x4  }
0x1f1: {  	[tilespmem:v6+s17+$0x0] =	vst.idx.msk $0xffff, v5  }
0x1f2: {  	v59 =	vadd.s32 v1, v4;
	v5 =	vld [tilespmem:s0+$0x10];
	_ =	sdelay $0x4  }
0x1f3: {  	[tilespmem:v59+s17+$0x0] =	vst.idx.msk $0xffff, v5  }
0x1f4: {  	v60 =	vadd.s32 v2, v4;
	v5 =	vld [tilespmem:s0+$0x20];
	_ =	sdelay $0x4  }
0x1f5: {  	[tilespmem:v60+s17+$0x0] =	vst.idx.msk $0xffff, v5  }
0x1f6: {  	v4 =	vadd.s32 v3, v4;
	v5 =	vld [tilespmem:s0+$0x30];
	_ =	sdelay $0x2  }
0x1f7: {  	s10 =	sadd.s32 $0x3, s30  }
0x1f8: {  	v61 =	vmov s10  }
0x1f9: {  	[tilespmem:v4+s17+$0x0] =	vst.idx.msk $0xffff, v5;
	v4 =	vand.u32 $0x7F, v61  }
0x1fa: {  	v5 =	vld [tilespmem:s0+$0x40];
	v6 =	vadd.s32 v0, v4;
	_ =	sdelay $0x4  }
0x1fb: {  	[tilespmem:v6+s17+$0x0] =	vst.idx.msk $0xffff, v5  }
0x1fc: {  	v62 =	vadd.s32 v1, v4;
	v5 =	vld [tilespmem:s0+$0x50];
	_ =	sdelay $0x4  }
0x1fd: {  	[tilespmem:v62+s17+$0x0] =	vst.idx.msk $0xffff, v5  }
0x1fe: {  	v63 =	vadd.s32 v2, v4;
	v5 =	vld [tilespmem:s0+$0x60];
	_ =	sdelay $0x4  }
0x1ff: {  	[tilespmem:v63+s17+$0x0] =	vst.idx.msk $0xffff, v5  }
0x200: {  	v4 =	vadd.s32 v3, v4;
	v5 =	vld [tilespmem:s0+$0x70];
	_ =	sdelay $0x3  }
0x201: {  	s29 =	simm.s32 @!p0 $0xA400;
	s0 =	sor.u32 $0x2, s26  }
0x202: {  	s1 =	sadd.s32 @!p0 $0x300, s28;
	s10 =	simm.s32 @!p0 $0x80;
	s0 =	sadd.s32 s6, s0;
	[tilespmem:v4+s17+$0x0] =	vst.idx.msk $0xffff, v5  }
0x203: {  	[tilespmem:s29], [sflag:$0x3] =	stream.indirect.gather @!p0 [hbm4b:s4+s10], $0x40, s1, s10, $0xb8;
	[tilespmem:$0x12800] =	vst v63  }
0x204: {  	s10 =	sshll.u32 s0, $0x7  }
0x205: {  	s0 =	sshll.u32 s0, $0xA;
	s1 =	sand.u32 $0xF00, s10  }
0x206: {  	s0 =	sand.u32 $0xFFF8000, s0;
	s1 =	sadd.s32 s2, s1  }
0x207: {  	s10 =	sadd.s32 s0, s1;
	s1 =	simm.s32 $0xE400  }
0x208: {  	[hbm4b:s10+s3] =	stream.linear.scatter [tilespmem:s1], [sflag:$0x5], $0x80, $0x38;
	[tilespmem:$0x12800] =	vst v63  }
0x209: {  	s0 =	simm.s32 $0xE488;
	s1 =	sadd.s32 $0x10, s10  }
0x20a: {  	[hbm4b:s1+s3] =	stream.linear.scatter [tilespmem:s0], [sflag:$0x5], $0x80, $0x38;
	[tilespmem:$0x12800] =	vst v63  }
0x20b: {  	s0 =	simm.s32 $0xE510;
	s1 =	sadd.s32 $0x20, s10  }
0x20c: {  	[hbm4b:s1+s3] =	stream.linear.scatter [tilespmem:s0], [sflag:$0x5], $0x80, $0x38;
	[tilespmem:$0x12800] =	vst v63  }
0x20d: {  	s0 =	simm.s32 $0xE598;
	s1 =	sadd.s32 $0x30, s10  }
0x20e: {  	[hbm4b:s1+s3] =	stream.linear.scatter [tilespmem:s0], [sflag:$0x5], $0x80, $0x38;
	[tilespmem:$0x12800] =	vst v63  }
0x20f: {  	s0 =	simm.s32 $0xE620;
	s1 =	sadd.s32 $0x40, s10  }
0x210: {  	[hbm4b:s1+s3] =	stream.linear.scatter [tilespmem:s0], [sflag:$0x5], $0x80, $0x38;
	[tilespmem:$0x12800] =	vst v63  }
0x211: {  	s31 =	simm.s32 $0xE7B8;
	s0 =	simm.s32 $0xE6A8;
	s1 =	sadd.s32 $0x50, s10  }
0x212: {  	[hbm4b:s1+s3] =	stream.linear.scatter [tilespmem:s0], [sflag:$0x5], $0x80, $0x38;
	[tilespmem:$0x12800] =	vst v63  }
0x213: {  	s30 =	simm.s32 $0x2200;
	s0 =	simm.s32 $0xE730;
	s1 =	sadd.s32 $0x60, s10  }
0x214: {  	[hbm4b:s1+s3] =	stream.linear.scatter [tilespmem:s0], [sflag:$0x5], $0x80, $0x38;
	[tilespmem:$0x12800] =	vst v63  }
0x215: {  	s29 =	sadd.s32 $0x1000, s10;
	s1 =	simm.s32 $0x440;
	s0 =	sadd.s32 $0x70, s10  }
.LBB2_13:
0x216: {  	[hbm4b:s0+s3] =	stream.linear.scatter [tilespmem:s31], [sflag:$0x5], $0x80, $0x38;
	[tilespmem:$0x12800] =	vst v63  }
0x217: {  	s0 =	smov.u32 s1;
	s1 =	smov.u32 s30  }
0x218: {  	s10 =	sadd.s32 $0x1100, s30;
	s1 =	sshra.s32 s1, $0x2;
	s31 =	sadd.s32 $0xE400, s0  }
0x219: {  	[hbm4b:s29+s3] =	stream.linear.scatter [tilespmem:s31], [sflag:$0x5], $0x80, $0x38;
	[tilespmem:$0x12800] =	vst v63  }
0x21a: {  	p1 =	sne.s32 s30, $0x7700;
	s30 =	sadd.s32 $0xE488, s0;
	s31 =	sadd.s32 $0x10, s29  }
0x21b: {  	[hbm4b:s31+s3] =	stream.linear.scatter [tilespmem:s30], [sflag:$0x5], $0x80, $0x38;
	[tilespmem:$0x12800] =	vst v63  }
0x21c: {  	s30 =	sadd.s32 $0xE510, s0;
	s31 =	sadd.s32 $0x20, s29  }
0x21d: {  	[hbm4b:s31+s3] =	stream.linear.scatter [tilespmem:s30], [sflag:$0x5], $0x80, $0x38;
	[tilespmem:$0x12800] =	vst v63  }
0x21e: {  	s30 =	sadd.s32 $0xE598, s0;
	s31 =	sadd.s32 $0x30, s29  }
0x21f: {  	[hbm4b:s31+s3] =	stream.linear.scatter [tilespmem:s30], [sflag:$0x5], $0x80, $0x38;
	[tilespmem:$0x12800] =	vst v63  }
0x220: {  	s30 =	sadd.s32 $0xE620, s0;
	s31 =	sadd.s32 $0x40, s29  }
0x221: {  	[hbm4b:s31+s3] =	stream.linear.scatter [tilespmem:s30], [sflag:$0x5], $0x80, $0x38;
	[tilespmem:$0x12800] =	vst v63  }
0x222: {  	s30 =	sadd.s32 $0xE6A8, s0;
	s31 =	sadd.s32 $0x50, s29  }
0x223: {  	[hbm4b:s31+s3] =	stream.linear.scatter [tilespmem:s30], [sflag:$0x5], $0x80, $0x38;
	[tilespmem:$0x12800] =	vst v63  }
.Ltmp5:
0x224: {  	_ = 	snop;
	(pc) =	sbr.rel @p1 .LBB2_13-.Ltmp5, $4  }
0x225: {  	s30 =	sadd.s32 $0xE730, s0;
	s31 =	sadd.s32 $0x60, s29  }
0x226: {  	[hbm4b:s31+s3] =	stream.linear.scatter [tilespmem:s30], [sflag:$0x5], $0x80, $0x38;
	[tilespmem:$0x12800] =	vst v63  }
0x227: {  	s31 =	sadd.s32 $0xE7B8, s0  }
0x228: {  	s0 =	sadd.s32 $0x70, s29;
	s29 =	sadd.s32 $0x1000, s29;
	s30 =	smov.u32 s10  }
0x229: {  	[hbm4b:s0+s3] =	stream.linear.scatter [tilespmem:s31], [sflag:$0x5], $0x80, $0x38;
	[tilespmem:$0x12800] =	vst v63  }
0x22a: {  	s10 =	sadd.s32 $0xE400, s1  }
0x22b: {  	[hbm4b:s29+s3] =	stream.linear.scatter [tilespmem:s10], [sflag:$0x5], $0x80, $0x38;
	[tilespmem:$0x12800] =	vst v63  }
0x22c: {  	s31 =	sadd.s32 $0xE488, s1;
	s10 =	sadd.s32 $0x10, s29  }
0x22d: {  	[hbm4b:s10+s3] =	stream.linear.scatter [tilespmem:s31], [sflag:$0x5], $0x80, $0x38;
	[tilespmem:$0x12800] =	vst v63  }
0x22e: {  	s10 =	sadd.s32 $0xE510, s1;
	s31 =	sadd.s32 $0x20, s29  }
0x22f: {  	[hbm4b:s31+s3] =	stream.linear.scatter [tilespmem:s10], [sflag:$0x5], $0x80, $0x38;
	[tilespmem:$0x12800] =	vst v63  }
0x230: {  	s10 =	sadd.s32 $0xE598, s1;
	s31 =	sadd.s32 $0x30, s29  }
0x231: {  	[hbm4b:s31+s3] =	stream.linear.scatter [tilespmem:s10], [sflag:$0x5], $0x80, $0x38;
	[tilespmem:$0x12800] =	vst v63  }
0x232: {  	s10 =	sadd.s32 $0xE620, s1;
	s31 =	sadd.s32 $0x40, s29  }
0x233: {  	[hbm4b:s31+s3] =	stream.linear.scatter [tilespmem:s10], [sflag:$0x5], $0x80, $0x38;
	[tilespmem:$0x12800] =	vst v63  }
0x234: {  	s10 =	sadd.s32 $0xE6A8, s1;
	s31 =	sadd.s32 $0x50, s29  }
0x235: {  	[hbm4b:s31+s3] =	stream.linear.scatter [tilespmem:s10], [sflag:$0x5], $0x80, $0x38;
	[tilespmem:$0x12800] =	vst v63  }
0x236: {  	s10 =	sadd.s32 $0xE730, s1;
	s31 =	sadd.s32 $0x60, s29  }
0x237: {  	[hbm4b:s31+s3] =	stream.linear.scatter [tilespmem:s10], [sflag:$0x5], $0x80, $0x38;
	[tilespmem:$0x12800] =	vst v63  }
0x238: {  	s1 =	sadd.s32 $0xE7B8, s1;
	s10 =	sadd.s32 $0x70, s29  }
0x239: {  	[hbm4b:s10+s3] =	stream.linear.scatter [tilespmem:s1], [sflag:$0x5], $0x80, $0x38;
	[tilespmem:$0x12800] =	vst v63  }
0x23a: {  	_ =	swait.ge [sflag:s22], $0x2000  }
0x23b: {  	[sflag:s22] =	ssyncset.done $0x0  }
0x23c: {  	[sflag:s22] =	ssyncadd.s32 $0xFFFFE000  }
0x23d: {  	s31 =	simm.s32 $0x0;
	_ =	swait.ge [sflag:s23], $0x2000  }
0x23e: {  	v4 =	vmov s31;
	[sflag:s23] =	ssyncset.done $0x0  }
0x23f: {  	s29 =	simm.s32 $0xC480;
	v4 =	vand.u32 $0x7C, v4;
	[sflag:s23] =	ssyncadd.s32 $0xFFFFE000  }
0x240: {  	v6 =	vadd.s32 v0, v4;
	v5 =	vld [tilespmem:s29+$0xFFFFFF80];
	_ =	sdelay $0x4  }
0x241: {  	[tilespmem:v6+s19+$0x0] =	vst.idx.msk $0xffff, v5  }
0x242: {  	v6 =	vadd.s32 v1, v4;
	v5 =	vld [tilespmem:s29+$0xFFFFFF90];
	_ =	sdelay $0x4  }
0x243: {  	[tilespmem:v6+s19+$0x0] =	vst.idx.msk $0xffff, v5  }
0x244: {  	v6 =	vadd.s32 v2, v4;
	v5 =	vld [tilespmem:s29+$0xFFFFFFA0];
	_ =	sdelay $0x4  }
0x245: {  	[tilespmem:v6+s19+$0x0] =	vst.idx.msk $0xffff, v5  }
0x246: {  	v4 =	vadd.s32 v3, v4;
	v5 =	vld [tilespmem:s29+$0xFFFFFFB0];
	_ =	sdelay $0x2  }
0x247: {  	s1 =	simm.s32 $0x1  }
0x248: {  	v6 =	vmov s1  }
0x249: {  	[tilespmem:v4+s19+$0x0] =	vst.idx.msk $0xffff, v5;
	v4 =	vand.u32 $0x7D, v6  }
0x24a: {  	v5 =	vld [tilespmem:s29+$0xFFFFFFC0];
	v6 =	vadd.s32 v0, v4;
	_ =	sdelay $0x4  }
0x24b: {  	[tilespmem:v6+s19+$0x0] =	vst.idx.msk $0xffff, v5  }
0x24c: {  	v6 =	vadd.s32 v1, v4;
	v5 =	vld [tilespmem:s29+$0xFFFFFFD0];
	_ =	sdelay $0x4  }
0x24d: {  	[tilespmem:v6+s19+$0x0] =	vst.idx.msk $0xffff, v5  }
0x24e: {  	v6 =	vadd.s32 v2, v4;
	v5 =	vld [tilespmem:s29+$0xFFFFFFE0];
	_ =	sdelay $0x4  }
0x24f: {  	[tilespmem:v6+s19+$0x0] =	vst.idx.msk $0xffff, v5  }
0x250: {  	v4 =	vadd.s32 v3, v4;
	v5 =	vld [tilespmem:s29+$0xFFFFFFF0];
	_ =	sdelay $0x2  }
0x251: {  	s10 =	simm.s32 $0x2  }
0x252: {  	v6 =	vmov s10  }
0x253: {  	[tilespmem:v4+s19+$0x0] =	vst.idx.msk $0xffff, v5;
	v4 =	vand.u32 $0x7E, v6  }
0x254: {  	v5 =	vld [tilespmem:s29+$0x0];
	v6 =	vadd.s32 v0, v4;
	_ =	sdelay $0x4  }
0x255: {  	[tilespmem:v6+s19+$0x0] =	vst.idx.msk $0xffff, v5  }
0x256: {  	v6 =	vadd.s32 v1, v4;
	v5 =	vld [tilespmem:s29+$0x10];
	_ =	sdelay $0x4  }
0x257: {  	[tilespmem:v6+s19+$0x0] =	vst.idx.msk $0xffff, v5  }
0x258: {  	v6 =	vadd.s32 v2, v4;
	v5 =	vld [tilespmem:s29+$0x20];
	_ =	sdelay $0x4  }
0x259: {  	[tilespmem:v6+s19+$0x0] =	vst.idx.msk $0xffff, v5  }
0x25a: {  	v4 =	vadd.s32 v3, v4;
	v5 =	vld [tilespmem:s29+$0x30];
	_ =	sdelay $0x2  }
0x25b: {  	s31 =	simm.s32 $0x3  }
0x25c: {  	v6 =	vmov s31  }
0x25d: {  	[tilespmem:v4+s19+$0x0] =	vst.idx.msk $0xffff, v5;
	v5 =	vand.u32 $0x7F, v6  }
0x25e: {  	v4 =	vld [tilespmem:s29+$0x40];
	v6 =	vadd.s32 v0, v5;
	_ =	sdelay $0x4  }
0x25f: {  	[tilespmem:v6+s19+$0x0] =	vst.idx.msk $0xffff, v4  }
0x260: {  	v6 =	vadd.s32 v1, v5;
	v4 =	vld [tilespmem:s29+$0x50];
	_ =	sdelay $0x4  }
0x261: {  	[tilespmem:v6+s19+$0x0] =	vst.idx.msk $0xffff, v4  }
0x262: {  	v6 =	vadd.s32 v2, v5;
	v4 =	vld [tilespmem:s29+$0x60];
	_ =	sdelay $0x4  }
0x263: {  	[tilespmem:v6+s19+$0x0] =	vst.idx.msk $0xffff, v4  }
0x264: {  	v5 =	vadd.s32 v3, v5;
	v4 =	vld [tilespmem:s29+$0x70];
	_ =	sdelay $0x2  }
0x265: {  	s30 =	simm.s32 $0x4  }
0x266: {  	s1 =	simm.s32 $0x8;
	v6 =	vmov s30  }
.LBB2_15:
0x267: {  	p1 =	sne.s32 s1, $0x7C;
	v6 =	vand.u32 $0x7C, v6;
	[tilespmem:v5+s19+$0x0] =	vst.idx.msk $0xffff, v4;
	s29 =	sadd.s32 $0x100, s29  }
0x268: {  	v4 =	vld [tilespmem:s29+$0xFFFFFF80];
	v5 =	vadd.s32 v0, v6;
	_ =	sdelay $0x4  }
0x269: {  	[tilespmem:v5+s19+$0x0] =	vst.idx.msk $0xffff, v4  }
0x26a: {  	v5 =	vadd.s32 v1, v6;
	v4 =	vld [tilespmem:s29+$0xFFFFFF90];
	_ =	sdelay $0x4  }
0x26b: {  	[tilespmem:v5+s19+$0x0] =	vst.idx.msk $0xffff, v4  }
0x26c: {  	v5 =	vadd.s32 v2, v6;
	v4 =	vld [tilespmem:s29+$0xFFFFFFA0];
	_ =	sdelay $0x4  }
0x26d: {  	[tilespmem:v5+s19+$0x0] =	vst.idx.msk $0xffff, v4  }
0x26e: {  	v5 =	vadd.s32 v3, v6;
	v4 =	vld [tilespmem:s29+$0xFFFFFFB0];
	_ =	sdelay $0x2  }
0x26f: {  	s0 =	sadd.s32 $0x1, s30  }
0x270: {  	v6 =	vmov s0  }
0x271: {  	[tilespmem:v5+s19+$0x0] =	vst.idx.msk $0xffff, v4;
	v4 =	vand.u32 $0x7D, v6  }
0x272: {  	v5 =	vld [tilespmem:s29+$0xFFFFFFC0];
	v6 =	vadd.s32 v0, v4;
	_ =	sdelay $0x4  }
0x273: {  	[tilespmem:v6+s19+$0x0] =	vst.idx.msk $0xffff, v5  }
0x274: {  	v6 =	vadd.s32 v1, v4;
	v5 =	vld [tilespmem:s29+$0xFFFFFFD0];
	_ =	sdelay $0x4  }
0x275: {  	[tilespmem:v6+s19+$0x0] =	vst.idx.msk $0xffff, v5  }
0x276: {  	v6 =	vadd.s32 v2, v4;
	v5 =	vld [tilespmem:s29+$0xFFFFFFE0];
	_ =	sdelay $0x4  }
0x277: {  	[tilespmem:v6+s19+$0x0] =	vst.idx.msk $0xffff, v5  }
0x278: {  	v4 =	vadd.s32 v3, v4;
	v5 =	vld [tilespmem:s29+$0xFFFFFFF0];
	_ =	sdelay $0x2  }
0x279: {  	s0 =	sadd.s32 $0x2, s30  }
0x27a: {  	v6 =	vmov s0  }
0x27b: {  	[tilespmem:v4+s19+$0x0] =	vst.idx.msk $0xffff, v5;
	v4 =	vand.u32 $0x7E, v6  }
0x27c: {  	v5 =	vld [tilespmem:s29+$0x0];
	v6 =	vadd.s32 v0, v4;
	_ =	sdelay $0x4  }
0x27d: {  	[tilespmem:v6+s19+$0x0] =	vst.idx.msk $0xffff, v5  }
0x27e: {  	v6 =	vadd.s32 v1, v4;
	v5 =	vld [tilespmem:s29+$0x10];
	_ =	sdelay $0x4  }
0x27f: {  	[tilespmem:v6+s19+$0x0] =	vst.idx.msk $0xffff, v5  }
0x280: {  	v6 =	vadd.s32 v2, v4;
	v5 =	vld [tilespmem:s29+$0x20];
	_ =	sdelay $0x4  }
0x281: {  	[tilespmem:v6+s19+$0x0] =	vst.idx.msk $0xffff, v5  }
0x282: {  	v4 =	vadd.s32 v3, v4;
	v5 =	vld [tilespmem:s29+$0x30];
	_ =	sdelay $0x2  }
0x283: {  	s0 =	sadd.s32 $0x3, s30;
	s30 =	smov.u32 s1  }
0x284: {  	v6 =	vmov s0  }
0x285: {  	[tilespmem:v4+s19+$0x0] =	vst.idx.msk $0xffff, v5;
	v5 =	vand.u32 $0x7F, v6  }
0x286: {  	v4 =	vld [tilespmem:s29+$0x40];
	v6 =	vadd.s32 v0, v5;
	_ =	sdelay $0x4  }
0x287: {  	[tilespmem:v6+s19+$0x0] =	vst.idx.msk $0xffff, v4  }
0x288: {  	v6 =	vadd.s32 v1, v5;
	v4 =	vld [tilespmem:s29+$0x50];
	_ =	sdelay $0x4  }
0x289: {  	[tilespmem:v6+s19+$0x0] =	vst.idx.msk $0xffff, v4  }
0x28a: {  	v6 =	vadd.s32 v2, v5;
	v4 =	vld [tilespmem:s29+$0x60];
	_ =	sdelay $0x4  }
0x28b: {  	[tilespmem:v6+s19+$0x0] =	vst.idx.msk $0xffff, v4  }
.Ltmp6:
0x28c: {  	v5 =	vadd.s32 v3, v5;
	v4 =	vld [tilespmem:s29+$0x70];
	(pc) =	sbr.rel @p1 .LBB2_15-.Ltmp6, $2  }
0x28d: {  	_ =	sdelay $0x2  }
0x28e: {  	s1 =	sadd.s32 $0x4, s1;
	v6 =	vmov s30  }
0x28f: {  	_ =	sdelay $0x3  }
0x290: {  	v6 =	vand.u32 $0x7C, v6;
	[tilespmem:v5+s19+$0x0] =	vst.idx.msk $0xffff, v4;
	s0 =	sadd.s32 $0x100, s29  }
0x291: {  	v4 =	vld [tilespmem:s0+$0xFFFFFF80];
	v5 =	vadd.s32 v0, v6;
	_ =	sdelay $0x4  }
0x292: {  	[tilespmem:v5+s19+$0x0] =	vst.idx.msk $0xffff, v4  }
0x293: {  	v5 =	vadd.s32 v1, v6;
	v4 =	vld [tilespmem:s0+$0xFFFFFF90];
	_ =	sdelay $0x4  }
0x294: {  	[tilespmem:v5+s19+$0x0] =	vst.idx.msk $0xffff, v4  }
0x295: {  	v5 =	vadd.s32 v2, v6;
	v4 =	vld [tilespmem:s0+$0xFFFFFFA0];
	_ =	sdelay $0x4  }
0x296: {  	[tilespmem:v5+s19+$0x0] =	vst.idx.msk $0xffff, v4  }
0x297: {  	v5 =	vadd.s32 v3, v6;
	v4 =	vld [tilespmem:s0+$0xFFFFFFB0];
	_ =	sdelay $0x2  }
0x298: {  	s1 =	sadd.s32 $0x1, s30  }
0x299: {  	v55 =	vmov s1  }
0x29a: {  	[tilespmem:v5+s19+$0x0] =	vst.idx.msk $0xffff, v4;
	v4 =	vand.u32 $0x7D, v55  }
0x29b: {  	v5 =	vld [tilespmem:s0+$0xFFFFFFC0];
	v6 =	vadd.s32 v0, v4;
	_ =	sdelay $0x4  }
0x29c: {  	[tilespmem:v6+s19+$0x0] =	vst.idx.msk $0xffff, v5  }
0x29d: {  	v56 =	vadd.s32 v1, v4;
	v5 =	vld [tilespmem:s0+$0xFFFFFFD0];
	_ =	sdelay $0x4  }
0x29e: {  	[tilespmem:v56+s19+$0x0] =	vst.idx.msk $0xffff, v5  }
0x29f: {  	v57 =	vadd.s32 v2, v4;
	v5 =	vld [tilespmem:s0+$0xFFFFFFE0];
	_ =	sdelay $0x4  }
0x2a0: {  	[tilespmem:v57+s19+$0x0] =	vst.idx.msk $0xffff, v5  }
0x2a1: {  	v4 =	vadd.s32 v3, v4;
	v5 =	vld [tilespmem:s0+$0xFFFFFFF0];
	_ =	sdelay $0x2  }
0x2a2: {  	s31 =	sadd.s32 $0x2, s30  }
0x2a3: {  	v58 =	vmov s31  }
0x2a4: {  	[tilespmem:v4+s19+$0x0] =	vst.idx.msk $0xffff, v5;
	v4 =	vand.u32 $0x7E, v58  }
0x2a5: {  	v5 =	vld [tilespmem:s0+$0x0];
	v6 =	vadd.s32 v0, v4;
	_ =	sdelay $0x4  }
0x2a6: {  	[tilespmem:v6+s19+$0x0] =	vst.idx.msk $0xffff, v5  }
0x2a7: {  	v59 =	vadd.s32 v1, v4;
	v5 =	vld [tilespmem:s0+$0x10];
	_ =	sdelay $0x4  }
0x2a8: {  	[tilespmem:v59+s19+$0x0] =	vst.idx.msk $0xffff, v5  }
0x2a9: {  	v60 =	vadd.s32 v2, v4;
	v5 =	vld [tilespmem:s0+$0x20];
	_ =	sdelay $0x4  }
0x2aa: {  	[tilespmem:v60+s19+$0x0] =	vst.idx.msk $0xffff, v5  }
0x2ab: {  	v4 =	vadd.s32 v3, v4;
	v5 =	vld [tilespmem:s0+$0x30];
	_ =	sdelay $0x2  }
0x2ac: {  	s10 =	sadd.s32 $0x3, s30  }
0x2ad: {  	v61 =	vmov s10  }
0x2ae: {  	[tilespmem:v4+s19+$0x0] =	vst.idx.msk $0xffff, v5;
	v4 =	vand.u32 $0x7F, v61  }
0x2af: {  	v5 =	vld [tilespmem:s0+$0x40];
	v6 =	vadd.s32 v0, v4;
	_ =	sdelay $0x4  }
0x2b0: {  	[tilespmem:v6+s19+$0x0] =	vst.idx.msk $0xffff, v5  }
0x2b1: {  	v62 =	vadd.s32 v1, v4;
	v5 =	vld [tilespmem:s0+$0x50];
	_ =	sdelay $0x4  }
0x2b2: {  	[tilespmem:v62+s19+$0x0] =	vst.idx.msk $0xffff, v5  }
0x2b3: {  	v63 =	vadd.s32 v2, v4;
	v5 =	vld [tilespmem:s0+$0x60];
	_ =	sdelay $0x4  }
0x2b4: {  	[tilespmem:v63+s19+$0x0] =	vst.idx.msk $0xffff, v5  }
0x2b5: {  	v4 =	vadd.s32 v3, v4;
	v5 =	vld [tilespmem:s0+$0x70];
	_ =	sdelay $0x2  }
0x2b6: {  	s30 =	sor.u32 $0x3, s26  }
0x2b7: {  	s26 =	simm.s32 @!p0 $0xC400;
	s0 =	sadd.s32 s6, s30  }
0x2b8: {  	s1 =	sadd.s32 @!p0 $0x380, s28;
	s10 =	simm.s32 @!p0 $0x80;
	s31 =	sshll.u32 s0, $0x7;
	[tilespmem:v4+s19+$0x0] =	vst.idx.msk $0xffff, v5  }
0x2b9: {  	[tilespmem:s26], [sflag:$0x4] =	stream.indirect.gather @!p0 [hbm4b:s4+s10], $0x40, s1, s10, $0xb8;
	[tilespmem:$0x12800] =	vst v63  }
0x2ba: {  	s0 =	sshll.u32 s0, $0xA;
	s1 =	sand.u32 $0xF80, s31  }
0x2bb: {  	s0 =	sand.u32 $0xFFF8000, s0;
	s1 =	sadd.s32 s2, s1  }
0x2bc: {  	s10 =	sadd.s32 s0, s1;
	s1 =	simm.s32 $0x10600  }
0x2bd: {  	[hbm4b:s10+s3] =	stream.linear.scatter [tilespmem:s1], [sflag:$0x6], $0x80, $0x38;
	[tilespmem:$0x12800] =	vst v63  }
0x2be: {  	s26 =	simm.s32 $0x10688;
	s1 =	sadd.s32 $0x10, s10  }
0x2bf: {  	[hbm4b:s1+s3] =	stream.linear.scatter [tilespmem:s26], [sflag:$0x6], $0x80, $0x38;
	[tilespmem:$0x12800] =	vst v63  }
0x2c0: {  	s29 =	simm.s32 $0x109B8;
	s30 =	simm.s32 $0x10710;
	s31 =	sadd.s32 $0x20, s10  }
0x2c1: {  	[hbm4b:s31+s3] =	stream.linear.scatter [tilespmem:s30], [sflag:$0x6], $0x80, $0x38;
	[tilespmem:$0x12800] =	vst v63  }
0x2c2: {  	s28 =	simm.s32 $0x2200;
	s1 =	simm.s32 $0x10798;
	s26 =	sadd.s32 $0x30, s10  }
0x2c3: {  	[hbm4b:s26+s3] =	stream.linear.scatter [tilespmem:s1], [sflag:$0x6], $0x80, $0x38;
	[tilespmem:$0x12800] =	vst v63  }
0x2c4: {  	s0 =	sadd.s32 $0x70, s10;
	s30 =	simm.s32 $0x10820;
	s31 =	sadd.s32 $0x40, s10  }
0x2c5: {  	[hbm4b:s31+s3] =	stream.linear.scatter [tilespmem:s30], [sflag:$0x6], $0x80, $0x38;
	[tilespmem:$0x12800] =	vst v63  }
0x2c6: {  	s1 =	simm.s32 $0x108A8;
	s26 =	sadd.s32 $0x50, s10;
	s30 =	simm.s32 $0x10930  }
0x2c7: {  	[hbm4b:s26+s3] =	stream.linear.scatter [tilespmem:s1], [sflag:$0x6], $0x80, $0x38;
	[tilespmem:$0x12800] =	vst v63  }
0x2c8: {  	s31 =	sadd.s32 $0x60, s10;
	s1 =	simm.s32 $0x440;
	s26 =	sadd.s32 $0x1000, s10  }
0x2c9: {  	[hbm4b:s31+s3] =	stream.linear.scatter [tilespmem:s30], [sflag:$0x6], $0x80, $0x38;
	[tilespmem:$0x12800] =	vst v63  }
.LBB2_17:
0x2ca: {  	[hbm4b:s0+s3] =	stream.linear.scatter [tilespmem:s29], [sflag:$0x6], $0x80, $0x38;
	[tilespmem:$0x12800] =	vst v63  }
0x2cb: {  	s0 =	smov.u32 s1;
	s1 =	smov.u32 s28  }
0x2cc: {  	s10 =	sadd.s32 $0x1100, s28;
	s1 =	sshra.s32 s1, $0x2;
	s29 =	sadd.s32 $0x10600, s0  }
0x2cd: {  	[hbm4b:s26+s3] =	stream.linear.scatter [tilespmem:s29], [sflag:$0x6], $0x80, $0x38;
	[tilespmem:$0x12800] =	vst v63  }
0x2ce: {  	p0 =	sne.s32 s28, $0x7700;
	s28 =	sadd.s32 $0x10688, s0;
	s29 =	sadd.s32 $0x10, s26  }
0x2cf: {  	[hbm4b:s29+s3] =	stream.linear.scatter [tilespmem:s28], [sflag:$0x6], $0x80, $0x38;
	[tilespmem:$0x12800] =	vst v63  }
0x2d0: {  	s28 =	sadd.s32 $0x10710, s0;
	s29 =	sadd.s32 $0x20, s26  }
0x2d1: {  	[hbm4b:s29+s3] =	stream.linear.scatter [tilespmem:s28], [sflag:$0x6], $0x80, $0x38;
	[tilespmem:$0x12800] =	vst v63  }
0x2d2: {  	s28 =	sadd.s32 $0x10798, s0;
	s29 =	sadd.s32 $0x30, s26  }
0x2d3: {  	[hbm4b:s29+s3] =	stream.linear.scatter [tilespmem:s28], [sflag:$0x6], $0x80, $0x38;
	[tilespmem:$0x12800] =	vst v63  }
0x2d4: {  	s28 =	sadd.s32 $0x10820, s0;
	s29 =	sadd.s32 $0x40, s26  }
0x2d5: {  	[hbm4b:s29+s3] =	stream.linear.scatter [tilespmem:s28], [sflag:$0x6], $0x80, $0x38;
	[tilespmem:$0x12800] =	vst v63  }
0x2d6: {  	s28 =	sadd.s32 $0x108A8, s0;
	s29 =	sadd.s32 $0x50, s26  }
0x2d7: {  	[hbm4b:s29+s3] =	stream.linear.scatter [tilespmem:s28], [sflag:$0x6], $0x80, $0x38;
	[tilespmem:$0x12800] =	vst v63  }
.Ltmp7:
0x2d8: {  	_ = 	snop;
	(pc) =	sbr.rel @p0 .LBB2_17-.Ltmp7, $4  }
0x2d9: {  	s28 =	sadd.s32 $0x10930, s0;
	s29 =	sadd.s32 $0x60, s26  }
0x2da: {  	[hbm4b:s29+s3] =	stream.linear.scatter [tilespmem:s28], [sflag:$0x6], $0x80, $0x38;
	[tilespmem:$0x12800] =	vst v63  }
0x2db: {  	s29 =	sadd.s32 $0x109B8, s0  }
0x2dc: {  	s0 =	sadd.s32 $0x70, s26;
	s26 =	sadd.s32 $0x1000, s26;
	s28 =	smov.u32 s10  }
0x2dd: {  	[hbm4b:s0+s3] =	stream.linear.scatter [tilespmem:s29], [sflag:$0x6], $0x80, $0x38;
	[tilespmem:$0x12800] =	vst v63  }
0x2de: {  	s30 =	sadd.s32 $0x10600, s1  }
0x2df: {  	[hbm4b:s26+s3] =	stream.linear.scatter [tilespmem:s30], [sflag:$0x6], $0x80, $0x38;
	[tilespmem:$0x12800] =	vst v63  }
0x2e0: {  	s31 =	sadd.s32 $0x10688, s1;
	s10 =	sadd.s32 $0x10, s26  }
0x2e1: {  	[hbm4b:s10+s3] =	stream.linear.scatter [tilespmem:s31], [sflag:$0x6], $0x80, $0x38;
	[tilespmem:$0x12800] =	vst v63  }
0x2e2: {  	s28 =	sadd.s32 $0x10710, s1;
	s29 =	sadd.s32 $0x20, s26  }
0x2e3: {  	[hbm4b:s29+s3] =	stream.linear.scatter [tilespmem:s28], [sflag:$0x6], $0x80, $0x38;
	[tilespmem:$0x12800] =	vst v63  }
0x2e4: {  	s30 =	sadd.s32 $0x10798, s1;
	s31 =	sadd.s32 $0x30, s26  }
0x2e5: {  	[hbm4b:s31+s3] =	stream.linear.scatter [tilespmem:s30], [sflag:$0x6], $0x80, $0x38;
	[tilespmem:$0x12800] =	vst v63  }
0x2e6: {  	s25 =	sadd.s32 $0x1, s25;
	s28 =	sadd.s32 $0x10820, s1;
	s29 =	sadd.s32 $0x40, s26  }
0x2e7: {  	[hbm4b:s29+s3] =	stream.linear.scatter [tilespmem:s28], [sflag:$0x6], $0x80, $0x38;
	[tilespmem:$0x12800] =	vst v63  }
0x2e8: {  	p0 =	sne.s32 s25, $0x32;
	s30 =	sadd.s32 $0x108A8, s1;
	s31 =	sadd.s32 $0x50, s26  }
0x2e9: {  	[hbm4b:s31+s3] =	stream.linear.scatter [tilespmem:s30], [sflag:$0x6], $0x80, $0x38;
	[tilespmem:$0x12800] =	vst v63  }
.Ltmp8:
0x2ea: {  	_ = 	snop;
	(pc) =	sbr.rel @p0 .LBB2_2-.Ltmp8, $4  }
0x2eb: {  	s28 =	sadd.s32 $0x10930, s1;
	s29 =	sadd.s32 $0x60, s26  }
0x2ec: {  	[hbm4b:s29+s3] =	stream.linear.scatter [tilespmem:s28], [sflag:$0x6], $0x80, $0x38;
	[tilespmem:$0x12800] =	vst v63  }
0x2ed: {  	s30 =	sadd.s32 $0x109B8, s1;
	s31 =	sadd.s32 $0x70, s26  }
0x2ee: {  	[hbm4b:s31+s3] =	stream.linear.scatter [tilespmem:s30], [sflag:$0x6], $0x80, $0x38;
	[tilespmem:$0x12800] =	vst v63  }
0x2ef: {  	s24 =	sadd.s32 $0x1, s24  }
0x2f0: {  	_ =	swait.ge [sflag:s21], $0x2000;
	p0 =	sne.s32 s24, s7  }
.Ltmp9:
0x2f1: {  	[sflag:s21] =	ssyncset.done $0x0;
	(pc) =	sbr.rel @p0 .LBB2_1-.Ltmp9, $4  }
0x2f2: {  	[sflag:s21] =	ssyncadd.s32 $0xFFFFE000  }
0x2f3: {  	_ =	swait.ge [sflag:s23], $0x2000  }
0x2f4: {  	[sflag:s23] =	ssyncset.done $0x0  }
0x2f5: {  	[sflag:s23] =	ssyncadd.s32 $0xFFFFE000  }
0x2f6: {  	_ =	sfence.sel $0x180000  }
0x2f7: {  	[bflag:$0x0] =	sbarrier.arrive $0xFFFF  }
0x2f8: {  	_ =	strace $0x90000047  }
0x2f9: {  	s0 =	stileid.u32;
	[bflag:$0x2] =	sbarrier.arrive $0xFFFF  }
0x2fa: {  	p0 =	sne.s32 s0, $0x0;
	s0 =	rddreg [dreg:$0x2]  }
0x2fb: {  	s0 =	sadd.s32 @!p0 $0x100000, s0  }
0x2fc: {  	[sflag:s0] =	ssyncadd.tile.s32 @!p0 $0x1;
	_ =	shalt  }
.Lfunc_end2:
_tile_overlayer_lowered:
.L_overlay_start_2:
0x2fd: {  	(tag) =	ssettag $0x2  }
0x2fe: {  	s0 =	rddreg [dreg:$0x0];
	s2 =	stileid.u32  }
0x2ff: {  	s1 =	rddreg [dreg:$0x1];
	p0 =	sne.s32 s2, $0x0  }
0x300: {  	s3 =	rddreg [dreg:$0x2];
	[bflag:$0x3] =	sbarrier.arrive $0xFFFF;
	s2 =	simm.s32 @!p0 $0x1C07  }
0x301: {  	[timem:s3], [sflag:s2] =	dma.local @!p0 [hbm:s0], s1  }
0x302: {  	s0 =	simm.s32 @!p0 $0x7  }
0x303: {  	_ =	swait.ge @!p0 [sflag:s0], s1  }
0x304: {  	s1 =	ssub.s32 @!p0 $0x0, s1;
	[sflag:s0] =	ssyncset.done @!p0 $0x0  }
0x305: {  	[sflag:s0] =	ssyncadd.s32 @!p0 s1  }
0x306: {  	[bflag:$0x3] =	sbarrier.arrive $0xFFFF  }
0x307: {  	_ =	shalt  }

</sc_bundles>
